<compile_context>
chip_gen: v7x
topology: tpu7x:2x2x1
jax: 0.10.2.dev20260603
libtpu: 0.0.44.dev20260713+nightly
codegen_flags: <defaults>
</compile_context>

<pallas_src>
import functools

import jax
import jax.numpy as jnp
from jax import lax
from jax.experimental import pallas as pl
from jax.experimental.pallas import tpu as pltpu
from jax.experimental.pallas import tpu_sc as plsc

N = 10000
NP = 10240
E = 320000
NW = 32
NSUB = 16
EPW = E // NW
C = 80
NC = -(-EPW // C)
EPP = NC * C
RPT = NP // NSUB

@functools.lru_cache(maxsize=None)
def _mesh():
    return plsc.VectorSubcoreMesh(
        core_axis_name="c", subcore_axis_name="s", num_cores=2,
        num_subcores=NSUB,
    )


@functools.lru_cache(maxsize=None)
def _make_sc_count():
    @functools.partial(
        pl.kernel,
        out_type=jax.ShapeDtypeStruct((NW, NP), jnp.float32),
        mesh=_mesh(),
        scratch_types=[
            pltpu.VMEM((NC, C), jnp.int32),
            pltpu.VMEM((NP,), jnp.float32),
        ],
        compiler_params=pltpu.CompilerParams(needs_layout_passes=False),
    )
    def count(dst_hbm, out_hbm, dst_v, deg_v):
        cid = lax.axis_index("c")
        sid = lax.axis_index("s")
        w = cid * NSUB + sid
        pltpu.sync_copy(dst_hbm.at[w], dst_v)

        def zero(i, carry):
            deg_v[pl.ds(i * 16, 16)] = jnp.zeros((16,), jnp.float32)
            return carry

        lax.fori_loop(0, NP // 16, zero, 0)
        ones16 = jnp.ones((16,), jnp.float32)

        def chunk(j, carry):
            def sub(k, c2):
                el = dst_v[j, pl.ds(k * 16, 16)]
                plsc.addupdate_scatter(deg_v, [el], ones16)
                return c2

            return lax.fori_loop(0, C // 16, sub, carry)

        lax.fori_loop(0, NC, chunk, 0)
        pltpu.sync_copy(deg_v, out_hbm.at[w])

    return count


@functools.lru_cache(maxsize=None)
def _make_sc_agg(D):
    @functools.partial(
        pl.kernel,
        out_type=jax.ShapeDtypeStruct((2, NP, D), jnp.float32),
        mesh=_mesh(),
        scratch_types=[
            pltpu.VMEM((NC, C), jnp.int32),
            pltpu.VMEM((NC, C), jnp.int32),
            pltpu.VMEM((C, D), jnp.float32),
            pltpu.VMEM_SHARED((NP, D), jnp.float32),
        ],
    )
    def agg(src_hbm, dst_hbm, tbl_hbm, out_hbm, src_v, dst_v, rows_v,
            acc_sh):
        cid = lax.axis_index("c")
        sid = lax.axis_index("s")
        w = cid * NSUB + sid
        pltpu.sync_copy(src_hbm.at[w], src_v)
        pltpu.sync_copy(dst_hbm.at[w], dst_v)
        pltpu.sync_copy(tbl_hbm.at[pl.ds(sid * RPT, RPT)],
                        acc_sh.at[pl.ds(sid * RPT, RPT)])
        plsc.subcore_barrier()

        def chunk(j, carry):
            pltpu.sync_copy(tbl_hbm.at[src_v.at[j]], rows_v)
            pltpu.sync_copy(rows_v, acc_sh.at[dst_v.at[j]], add=True)
            return carry

        lax.fori_loop(0, NC, chunk, 0)
        plsc.subcore_barrier()
        pltpu.sync_copy(acc_sh.at[pl.ds(sid * RPT, RPT)],
                        out_hbm.at[cid, pl.ds(sid * RPT, RPT)])

    return agg


BS = 2048


def _dinv_from_cnt(cnt_blk):
    deg = 1.0 + jnp.sum(cnt_blk, axis=1, keepdims=True)
    return lax.rsqrt(deg)


def _mm1_body(x_ref, cnt_ref, w_ref, out_ref):
    dinv = _dinv_from_cnt(cnt_ref[...])
    h = jnp.dot(x_ref[...], w_ref[...], preferred_element_type=jnp.float32)
    out_ref[...] = h * dinv


def _epi_mm2_body(s_ref, t_ref, cnt_ref, b_ref, w_ref, out_ref):
    dinv = _dinv_from_cnt(cnt_ref[...])
    s = s_ref[0] + s_ref[1] - t_ref[...]
    z = jnp.maximum(s * dinv + b_ref[...], 0.0)
    h2 = jnp.dot(z, w_ref[...], preferred_element_type=jnp.float32) * dinv
    out_ref[...] = jnp.concatenate(
        [h2, jnp.zeros_like(h2)], axis=1)


def _final_body(s_ref, t_ref, cnt_ref, b_ref, out_ref):
    dinv = _dinv_from_cnt(cnt_ref[...])
    s = s_ref[0][:, :64] + s_ref[1][:, :64] - t_ref[:, :64]
    out_ref[...] = s * dinv + b_ref[...]


def _row_spec(d):
    return pl.BlockSpec((BS, d), lambda i: (i, 0))


def _mm1(x, cnt, W1):
    grid = NP // BS
    return pl.pallas_call(
        _mm1_body,
        grid=(grid,),
        in_specs=[
            _row_spec(128),
            _row_spec(NW),
            pl.BlockSpec((128, 128), lambda i: (0, 0)),
        ],
        out_specs=_row_spec(128),
        out_shape=jax.ShapeDtypeStruct((NP, 128), jnp.float32),
    )(x, cnt, W1)


def _epi_mm2(S, T1, cnt, b1, W2):
    grid = NP // BS
    return pl.pallas_call(
        _epi_mm2_body,
        grid=(grid,),
        in_specs=[
            pl.BlockSpec((2, BS, 128), lambda i: (0, i, 0)),
            _row_spec(128),
            _row_spec(NW),
            pl.BlockSpec((1, 128), lambda i: (0, 0)),
            pl.BlockSpec((128, 64), lambda i: (0, 0)),
        ],
        out_specs=_row_spec(128),
        out_shape=jax.ShapeDtypeStruct((NP, 128), jnp.float32),
    )(S, T1, cnt, b1, W2)


def _final(S, T2, cnt, b2):
    grid = NP // BS
    return pl.pallas_call(
        _final_body,
        grid=(grid,),
        in_specs=[
            pl.BlockSpec((2, BS, 128), lambda i: (0, i, 0)),
            _row_spec(128),
            _row_spec(NW),
            pl.BlockSpec((1, 64), lambda i: (0, 0)),
        ],
        out_specs=_row_spec(64),
        out_shape=jax.ShapeDtypeStruct((N, 64), jnp.float32),
    )(S, T2, cnt, b2)


def kernel(x, edge_index, W1, b1, W2, b2):
    src0 = edge_index[0].astype(jnp.int32).reshape(NW, EPW)
    dst0 = edge_index[1].astype(jnp.int32).reshape(NW, EPW)
    pad = EPP - EPW
    if pad:
        src = jnp.pad(src0, ((0, 0), (0, pad))).reshape(NW, NC, C)
        dump = (7 * jnp.arange(NW, dtype=jnp.int32)[:, None]
                + jnp.arange(pad, dtype=jnp.int32)) % (NP - N) + N
        dst = jnp.concatenate([dst0, dump], axis=1).reshape(NW, NC, C)
    else:
        src = src0.reshape(NW, NC, C)
        dst = dst0.reshape(NW, NC, C)

    cnt = _make_sc_count()(dst)
    cnt2 = cnt.T

    T1 = _mm1(x, cnt2, W1)
    S1 = _make_sc_agg(128)(src, dst, T1)
    T2 = _epi_mm2(S1, T1, cnt2, b1.reshape(1, 128), W2)
    S2 = _make_sc_agg(128)(src, dst, T2)
    return _final(S2, T2, cnt2, b2.reshape(1, 64))

# --- scband reference (transcript-rebuilt; emitter-appended) ---
"""Pipeline reference for scband-gcn-6622839570443 (READ-ONLY COPY).

The authoritative reference and input builder live on the scoring server;
editing this copy changes nothing except your own understanding.
"""

import jax, jax.numpy as jnp
import numpy as np

N_NODES = 10000
N_EDGES = 320000
D_IN = 128
D_HID = 128
D_OUT = 64


def setup_inputs(seed: int = 0) -> dict:
    key = jax.random.key(seed)
    k1, k2, k3, k4 = jax.random.split(key, 4)
    x = jax.random.normal(k1, (N_NODES, D_IN), dtype=jnp.float32)
    edge_index = jax.random.randint(k2, (2, N_EDGES), 0, N_NODES, dtype=jnp.int64)
    # glorot-style init for linear weights, zeros for bias (PyG GCNConv defaults)
    W1 = jax.random.normal(k3, (D_IN, D_HID), dtype=jnp.float32) * (1.0 / np.sqrt(D_IN))
    b1 = jnp.zeros((D_HID,), dtype=jnp.float32)
    W2 = jax.random.normal(k4, (D_HID, D_OUT), dtype=jnp.float32) * (1.0 / np.sqrt(D_HID))
    b2 = jnp.zeros((D_OUT,), dtype=jnp.float32)
    return {"x": x, "edge_index": edge_index, "W1": W1, "b1": b1, "W2": W2, "b2": b2}


def _gcn_conv(x, src, dst, W, b, n_nodes):
    # PyG GCNConv with normalize=True, add_self_loops already applied to (src, dst)
    deg = jnp.zeros((n_nodes,), dtype=x.dtype).at[dst].add(1.0)
    dinv = jnp.where(deg > 0, jax.lax.rsqrt(deg), 0.0)
    norm = dinv[src] * dinv[dst]
    h = x @ W
    msg = jnp.take(h, src, axis=0) * norm[:, None]
    out = jnp.zeros((n_nodes, h.shape[1]), dtype=x.dtype).at[dst].add(msg)
    return out + b


def reference(x, edge_index, W1, b1, W2, b2):
    n_nodes = x.shape[0]
    loop = jnp.arange(n_nodes, dtype=edge_index.dtype)
    src = jnp.concatenate([edge_index[0], loop])
    dst = jnp.concatenate([edge_index[1], loop])
    # two_layers=True branch: conv1b -> relu -> conv2b
    h = _gcn_conv(x, src, dst, W1, b1, n_nodes)
    h = jax.nn.relu(h)
    out = _gcn_conv(h, src, dst, W2, b2, n_nodes)
    return out

if __name__ == "__main__":
    import jax
    _d = setup_inputs()
    print(jax.jit(kernel)(*tuple(_d.values())))

</pallas_src>

<mosaic_0001>
#map = affine_map<(d0, d1) -> (0, 0, 0)>
#map1 = affine_map<(d0, d1) -> (0, 0)>
module attributes {stable_mosaic.version = 14 : i64} {
  func.func @agg(%arg0: i32, %arg1: i32, %arg2: memref<32x125x80xi32, #tpu.memory_space<hbm>>, %arg3: memref<32x125x80xi32, #tpu.memory_space<hbm>>, %arg4: memref<10240x128xf32, #tpu.memory_space<hbm>>, %arg5: memref<2x10240x128xf32, #tpu.memory_space<hbm>>, %arg6: memref<125x80xi32, #tpu.memory_space<vmem>>, %arg7: memref<125x80xi32, #tpu.memory_space<vmem>>, %arg8: memref<80x128xf32, #tpu.memory_space<vmem>>, %arg9: memref<10240x128xf32, #tpu.memory_space<vmem_shared>>) attributes {dimension_semantics = [#tpu.dimension_semantics<core_parallel>, #tpu.dimension_semantics<subcore_parallel>], iteration_bounds = array<i64: 2, 16>, scalar_prefetch = 0 : i64, scratch_operands = 4 : i64, tpu.core_type = #tpu.core_type<sc_vector_subcore>, window_params = [{transform_indices = #map}, {transform_indices = #map}, {transform_indices = #map1}, {transform_indices = #map}]} {
    %mul3A = arith.constant 16 : i32
    %mul3A_0 = arith.muli %arg0, %mul3A : i32
    %add3A = arith.addi %mul3A_0, %arg1 : i32
    "tpu.region"() ({
      %run_scoped3A = tpu.sem_alloc : memref<!tpu.dma_semaphore, #tpu.memory_space<semaphore_mem>>
      %dma_start3A = arith.constant 0 : i32
      %dma_start3A_15 = arith.constant 0 : i32
      %dma_start3A_16 = tpu.memref_slice %arg2[%add3A, %dma_start3A, %dma_start3A_15] : memref<32x125x80xi32, #tpu.memory_space<hbm>> -> memref<1x125x80xi32, #tpu.memory_space<hbm>>
      %dma_start3A_17 = tpu.memref_squeeze %dma_start3A_16 : memref<1x125x80xi32, #tpu.memory_space<hbm>> -> memref<125x80xi32, #tpu.memory_space<hbm>>
      %dma_start3A_18 = arith.constant 0 : i32
      %dma_start3A_19 = arith.constant 0 : i32
      %dma_start3A_20 = tpu.memref_slice %arg2[%add3A, %dma_start3A_18, %dma_start3A_19] : memref<32x125x80xi32, #tpu.memory_space<hbm>> -> memref<1x125x80xi32, #tpu.memory_space<hbm>>
      %dma_start3A_21 = tpu.memref_squeeze %dma_start3A_20 : memref<1x125x80xi32, #tpu.memory_space<hbm>> -> memref<125x80xi32, #tpu.memory_space<hbm>>
      tpu.enqueue_dma source(%dma_start3A_21 : memref<125x80xi32, #tpu.memory_space<hbm>>) target(%arg6 : memref<125x80xi32, #tpu.memory_space<vmem>>) target_semaphore(%run_scoped3A : memref<!tpu.dma_semaphore, #tpu.memory_space<semaphore_mem>>)
      %dma_wait3A = arith.constant 0 : i32
      %dma_wait3A_22 = arith.constant 0 : i32
      %dma_wait3A_23 = tpu.memref_slice %arg2[%add3A, %dma_wait3A, %dma_wait3A_22] : memref<32x125x80xi32, #tpu.memory_space<hbm>> -> memref<1x125x80xi32, #tpu.memory_space<hbm>>
      %dma_wait3A_24 = tpu.memref_squeeze %dma_wait3A_23 : memref<1x125x80xi32, #tpu.memory_space<hbm>> -> memref<125x80xi32, #tpu.memory_space<hbm>>
      %dma_wait3A_25 = arith.constant 0 : i32
      %dma_wait3A_26 = arith.constant 0 : i32
      %dma_wait3A_27 = tpu.memref_slice %arg2[%add3A, %dma_wait3A_25, %dma_wait3A_26] : memref<32x125x80xi32, #tpu.memory_space<hbm>> -> memref<1x125x80xi32, #tpu.memory_space<hbm>>
      %dma_wait3A_28 = tpu.memref_squeeze %dma_wait3A_27 : memref<1x125x80xi32, #tpu.memory_space<hbm>> -> memref<125x80xi32, #tpu.memory_space<hbm>>
      tpu.wait_dma2 semaphore(%run_scoped3A : memref<!tpu.dma_semaphore, #tpu.memory_space<semaphore_mem>>) src(%dma_wait3A_28 : memref<125x80xi32, #tpu.memory_space<hbm>>) dst(%arg6 : memref<125x80xi32, #tpu.memory_space<vmem>>)
      tpu.yield
    }) : () -> ()
    "tpu.region"() ({
      %run_scoped3A = tpu.sem_alloc : memref<!tpu.dma_semaphore, #tpu.memory_space<semaphore_mem>>
      %dma_start3A = arith.constant 0 : i32
      %dma_start3A_15 = arith.constant 0 : i32
      %dma_start3A_16 = tpu.memref_slice %arg3[%add3A, %dma_start3A, %dma_start3A_15] : memref<32x125x80xi32, #tpu.memory_space<hbm>> -> memref<1x125x80xi32, #tpu.memory_space<hbm>>
      %dma_start3A_17 = tpu.memref_squeeze %dma_start3A_16 : memref<1x125x80xi32, #tpu.memory_space<hbm>> -> memref<125x80xi32, #tpu.memory_space<hbm>>
      %dma_start3A_18 = arith.constant 0 : i32
      %dma_start3A_19 = arith.constant 0 : i32
      %dma_start3A_20 = tpu.memref_slice %arg3[%add3A, %dma_start3A_18, %dma_start3A_19] : memref<32x125x80xi32, #tpu.memory_space<hbm>> -> memref<1x125x80xi32, #tpu.memory_space<hbm>>
      %dma_start3A_21 = tpu.memref_squeeze %dma_start3A_20 : memref<1x125x80xi32, #tpu.memory_space<hbm>> -> memref<125x80xi32, #tpu.memory_space<hbm>>
      tpu.enqueue_dma source(%dma_start3A_21 : memref<125x80xi32, #tpu.memory_space<hbm>>) target(%arg7 : memref<125x80xi32, #tpu.memory_space<vmem>>) target_semaphore(%run_scoped3A : memref<!tpu.dma_semaphore, #tpu.memory_space<semaphore_mem>>)
      %dma_wait3A = arith.constant 0 : i32
      %dma_wait3A_22 = arith.constant 0 : i32
      %dma_wait3A_23 = tpu.memref_slice %arg3[%add3A, %dma_wait3A, %dma_wait3A_22] : memref<32x125x80xi32, #tpu.memory_space<hbm>> -> memref<1x125x80xi32, #tpu.memory_space<hbm>>
      %dma_wait3A_24 = tpu.memref_squeeze %dma_wait3A_23 : memref<1x125x80xi32, #tpu.memory_space<hbm>> -> memref<125x80xi32, #tpu.memory_space<hbm>>
      %dma_wait3A_25 = arith.constant 0 : i32
      %dma_wait3A_26 = arith.constant 0 : i32
      %dma_wait3A_27 = tpu.memref_slice %arg3[%add3A, %dma_wait3A_25, %dma_wait3A_26] : memref<32x125x80xi32, #tpu.memory_space<hbm>> -> memref<1x125x80xi32, #tpu.memory_space<hbm>>
      %dma_wait3A_28 = tpu.memref_squeeze %dma_wait3A_27 : memref<1x125x80xi32, #tpu.memory_space<hbm>> -> memref<125x80xi32, #tpu.memory_space<hbm>>
      tpu.wait_dma2 semaphore(%run_scoped3A : memref<!tpu.dma_semaphore, #tpu.memory_space<semaphore_mem>>) src(%dma_wait3A_28 : memref<125x80xi32, #tpu.memory_space<hbm>>) dst(%arg7 : memref<125x80xi32, #tpu.memory_space<vmem>>)
      tpu.yield
    }) : () -> ()
    %mul3A_1 = arith.constant 640 : i32
    %mul3A_2 = arith.muli %arg1, %mul3A_1 : i32
    %mul3A_3 = arith.constant 640 : i32
    %mul3A_4 = arith.muli %arg1, %mul3A_3 : i32
    "tpu.region"() ({
      %run_scoped3A = tpu.sem_alloc : memref<!tpu.dma_semaphore, #tpu.memory_space<semaphore_mem>>
      %dma_start3A = arith.constant 0 : i32
      %dma_start3A_15 = tpu.memref_slice %arg9[%mul3A_4, %dma_start3A] : memref<10240x128xf32, #tpu.memory_space<vmem_shared>> -> memref<640x128xf32, #tpu.memory_space<vmem_shared>>
      %dma_start3A_16 = arith.constant 0 : i32
      %dma_start3A_17 = tpu.memref_slice %arg4[%mul3A_2, %dma_start3A_16] : memref<10240x128xf32, #tpu.memory_space<hbm>> -> memref<640x128xf32, #tpu.memory_space<hbm>>
      tpu.enqueue_dma source(%dma_start3A_17 : memref<640x128xf32, #tpu.memory_space<hbm>>) target(%dma_start3A_15 : memref<640x128xf32, #tpu.memory_space<vmem_shared>>) target_semaphore(%run_scoped3A : memref<!tpu.dma_semaphore, #tpu.memory_space<semaphore_mem>>)
      %dma_wait3A = arith.constant 0 : i32
      %dma_wait3A_18 = tpu.memref_slice %arg9[%mul3A_4, %dma_wait3A] : memref<10240x128xf32, #tpu.memory_space<vmem_shared>> -> memref<640x128xf32, #tpu.memory_space<vmem_shared>>
      %dma_wait3A_19 = arith.constant 0 : i32
      %dma_wait3A_20 = tpu.memref_slice %arg4[%mul3A_2, %dma_wait3A_19] : memref<10240x128xf32, #tpu.memory_space<hbm>> -> memref<640x128xf32, #tpu.memory_space<hbm>>
      tpu.wait_dma2 semaphore(%run_scoped3A : memref<!tpu.dma_semaphore, #tpu.memory_space<semaphore_mem>>) src(%dma_wait3A_20 : memref<640x128xf32, #tpu.memory_space<hbm>>) dst(%dma_wait3A_18 : memref<640x128xf32, #tpu.memory_space<vmem_shared>>)
      tpu.yield
    }) : () -> ()
    %barrier3A = arith.constant 0 : index
    tpu.barrier barrier_id(%barrier3A)
    %scan3A = arith.constant 0 : i32
    %scan3A_5 = arith.constant 0 : i32
    %scan3A_6 = arith.constant 125 : i32
    %scan3A_7 = arith.addi %scan3A_5, %scan3A_6 : i32
    %scan3A_8 = arith.constant 1 : i32
    scf.for %scan3A_15 = %scan3A_5 to %scan3A_7 step %scan3A_8  : i32 {
      "tpu.region"() ({
        %run_scoped3A = tpu.sem_alloc : memref<!tpu.dma_semaphore, #tpu.memory_space<semaphore_mem>>
        %dma_start3A = arith.constant 0 : i32
        %dma_start3A_16 = tpu.memref_slice %arg6[%scan3A_15, %dma_start3A] : memref<125x80xi32, #tpu.memory_space<vmem>> -> memref<1x80xi32, #tpu.memory_space<vmem>>
        %dma_start3A_17 = tpu.memref_squeeze %dma_start3A_16 : memref<1x80xi32, #tpu.memory_space<vmem>> -> memref<80xi32, #tpu.memory_space<vmem>>
        %dma_start3A_18 = arith.constant 0 : i32
        %dma_start3A_19 = arith.constant 0 : i32
        %dma_start3A_20 = tpu.memref_slice %arg4[%dma_start3A_18, %dma_start3A_19] : memref<10240x128xf32, #tpu.memory_space<hbm>> -> memref<10240x128xf32, #tpu.memory_space<hbm>>
        tpu.enqueue_indirect_dma source(%dma_start3A_20 : memref<10240x128xf32, #tpu.memory_space<hbm>>) target(%arg8 : memref<80x128xf32, #tpu.memory_space<vmem>>) offsets(%dma_start3A_17 : memref<80xi32, #tpu.memory_space<vmem>>) semaphore(%run_scoped3A : memref<!tpu.dma_semaphore, #tpu.memory_space<semaphore_mem>>)
        %dma_wait3A = arith.constant 0 : i32
        %dma_wait3A_21 = tpu.memref_slice %arg6[%scan3A_15, %dma_wait3A] : memref<125x80xi32, #tpu.memory_space<vmem>> -> memref<1x80xi32, #tpu.memory_space<vmem>>
        %dma_wait3A_22 = tpu.memref_squeeze %dma_wait3A_21 : memref<1x80xi32, #tpu.memory_space<vmem>> -> memref<80xi32, #tpu.memory_space<vmem>>
        %dma_wait3A_23 = arith.constant 0 : i32
        %dma_wait3A_24 = arith.constant 0 : i32
        %dma_wait3A_25 = tpu.memref_slice %arg4[%dma_wait3A_23, %dma_wait3A_24] : memref<10240x128xf32, #tpu.memory_space<hbm>> -> memref<10240x128xf32, #tpu.memory_space<hbm>>
        tpu.wait_indirect_dma semaphore(%run_scoped3A : memref<!tpu.dma_semaphore, #tpu.memory_space<semaphore_mem>>) src(%dma_wait3A_25 : memref<10240x128xf32, #tpu.memory_space<hbm>>) dst(%arg8 : memref<80x128xf32, #tpu.memory_space<vmem>>)
        tpu.yield
      }) : () -> ()
      "tpu.region"() ({
        %run_scoped3A = tpu.sem_alloc : memref<!tpu.dma_semaphore, #tpu.memory_space<semaphore_mem>>
        %dma_start3A = arith.constant 0 : i32
        %dma_start3A_16 = tpu.memref_slice %arg7[%scan3A_15, %dma_start3A] : memref<125x80xi32, #tpu.memory_space<vmem>> -> memref<1x80xi32, #tpu.memory_space<vmem>>
        %dma_start3A_17 = tpu.memref_squeeze %dma_start3A_16 : memref<1x80xi32, #tpu.memory_space<vmem>> -> memref<80xi32, #tpu.memory_space<vmem>>
        %dma_start3A_18 = arith.constant 0 : i32
        %dma_start3A_19 = arith.constant 0 : i32
        %dma_start3A_20 = tpu.memref_slice %arg9[%dma_start3A_18, %dma_start3A_19] : memref<10240x128xf32, #tpu.memory_space<vmem_shared>> -> memref<10240x128xf32, #tpu.memory_space<vmem_shared>>
        tpu.enqueue_indirect_dma source(%arg8 : memref<80x128xf32, #tpu.memory_space<vmem>>) target(%dma_start3A_20 : memref<10240x128xf32, #tpu.memory_space<vmem_shared>>) offsets(%dma_start3A_17 : memref<80xi32, #tpu.memory_space<vmem>>) semaphore(%run_scoped3A : memref<!tpu.dma_semaphore, #tpu.memory_space<semaphore_mem>>) {add = true}
        %dma_wait3A = arith.constant 0 : i32
        %dma_wait3A_21 = tpu.memref_slice %arg7[%scan3A_15, %dma_wait3A] : memref<125x80xi32, #tpu.memory_space<vmem>> -> memref<1x80xi32, #tpu.memory_space<vmem>>
        %dma_wait3A_22 = tpu.memref_squeeze %dma_wait3A_21 : memref<1x80xi32, #tpu.memory_space<vmem>> -> memref<80xi32, #tpu.memory_space<vmem>>
        %dma_wait3A_23 = arith.constant 0 : i32
        %dma_wait3A_24 = arith.constant 0 : i32
        %dma_wait3A_25 = tpu.memref_slice %arg9[%dma_wait3A_23, %dma_wait3A_24] : memref<10240x128xf32, #tpu.memory_space<vmem_shared>> -> memref<10240x128xf32, #tpu.memory_space<vmem_shared>>
        tpu.wait_indirect_dma semaphore(%run_scoped3A : memref<!tpu.dma_semaphore, #tpu.memory_space<semaphore_mem>>) src(%arg8 : memref<80x128xf32, #tpu.memory_space<vmem>>) dst(%dma_wait3A_25 : memref<10240x128xf32, #tpu.memory_space<vmem_shared>>)
        tpu.yield
      }) : () -> ()
    }
    %scan3A_9 = arith.constant 125 : i32
    %barrier3A_10 = arith.constant 0 : index
    tpu.barrier barrier_id(%barrier3A_10)
    %mul3A_11 = arith.constant 640 : i32
    %mul3A_12 = arith.muli %arg1, %mul3A_11 : i32
    %mul3A_13 = arith.constant 640 : i32
    %mul3A_14 = arith.muli %arg1, %mul3A_13 : i32
    "tpu.region"() ({
      %run_scoped3A = tpu.sem_alloc : memref<!tpu.dma_semaphore, #tpu.memory_space<semaphore_mem>>
      %dma_start3A = arith.constant 0 : i32
      %dma_start3A_15 = tpu.memref_slice %arg5[%arg0, %mul3A_14, %dma_start3A] : memref<2x10240x128xf32, #tpu.memory_space<hbm>> -> memref<1x640x128xf32, #tpu.memory_space<hbm>>
      %dma_start3A_16 = tpu.memref_squeeze %dma_start3A_15 : memref<1x640x128xf32, #tpu.memory_space<hbm>> -> memref<640x128xf32, #tpu.memory_space<hbm>>
      %dma_start3A_17 = arith.constant 0 : i32
      %dma_start3A_18 = tpu.memref_slice %arg9[%mul3A_12, %dma_start3A_17] : memref<10240x128xf32, #tpu.memory_space<vmem_shared>> -> memref<640x128xf32, #tpu.memory_space<vmem_shared>>
      tpu.enqueue_dma source(%dma_start3A_18 : memref<640x128xf32, #tpu.memory_space<vmem_shared>>) target(%dma_start3A_16 : memref<640x128xf32, #tpu.memory_space<hbm>>) target_semaphore(%run_scoped3A : memref<!tpu.dma_semaphore, #tpu.memory_space<semaphore_mem>>)
      %dma_wait3A = arith.constant 0 : i32
      %dma_wait3A_19 = tpu.memref_slice %arg5[%arg0, %mul3A_14, %dma_wait3A] : memref<2x10240x128xf32, #tpu.memory_space<hbm>> -> memref<1x640x128xf32, #tpu.memory_space<hbm>>
      %dma_wait3A_20 = tpu.memref_squeeze %dma_wait3A_19 : memref<1x640x128xf32, #tpu.memory_space<hbm>> -> memref<640x128xf32, #tpu.memory_space<hbm>>
      %dma_wait3A_21 = arith.constant 0 : i32
      %dma_wait3A_22 = tpu.memref_slice %arg9[%mul3A_12, %dma_wait3A_21] : memref<10240x128xf32, #tpu.memory_space<vmem_shared>> -> memref<640x128xf32, #tpu.memory_space<vmem_shared>>
      tpu.wait_dma2 semaphore(%run_scoped3A : memref<!tpu.dma_semaphore, #tpu.memory_space<semaphore_mem>>) src(%dma_wait3A_22 : memref<640x128xf32, #tpu.memory_space<vmem_shared>>) dst(%dma_wait3A_20 : memref<640x128xf32, #tpu.memory_space<hbm>>)
      tpu.yield
    }) : () -> ()
    return
  }
}

#map = affine_map<(d0, d1) -> (0, 0, 0)>
#map1 = affine_map<(d0, d1) -> (0, 0)>
module attributes {stable_mosaic.version = 14 : i64} {
  func.func @agg(%arg0: i32, %arg1: i32, %arg2: memref<32x125x80xi32, #tpu.memory_space<hbm>>, %arg3: memref<32x125x80xi32, #tpu.memory_space<hbm>>, %arg4: memref<10240x128xf32, #tpu.memory_space<hbm>>, %arg5: memref<2x10240x128xf32, #tpu.memory_space<hbm>>, %arg6: memref<125x80xi32, #tpu.memory_space<vmem>>, %arg7: memref<125x80xi32, #tpu.memory_space<vmem>>, %arg8: memref<80x128xf32, #tpu.memory_space<vmem>>, %arg9: memref<10240x128xf32, #tpu.memory_space<vmem_shared>>) attributes {dimension_semantics = [#tpu.dimension_semantics<core_parallel>, #tpu.dimension_semantics<subcore_parallel>], iteration_bounds = array<i64: 2, 16>, scalar_prefetch = 0 : i64, scratch_operands = 4 : i64, tpu.core_type = #tpu.core_type<sc_vector_subcore>, window_params = [{transform_indices = #map}, {transform_indices = #map}, {transform_indices = #map1}, {transform_indices = #map}]} {
    %mul3A = arith.constant 16 : i32
    %mul3A_0 = arith.muli %arg0, %mul3A : i32
    %add3A = arith.addi %mul3A_0, %arg1 : i32
    "tpu.region"() ({
      %run_scoped3A = tpu.sem_alloc : memref<!tpu.dma_semaphore, #tpu.memory_space<semaphore_mem>>
      %dma_start3A = arith.constant 0 : i32
      %dma_start3A_15 = arith.constant 0 : i32
      %dma_start3A_16 = tpu.memref_slice %arg2[%add3A, %dma_start3A, %dma_start3A_15] : memref<32x125x80xi32, #tpu.memory_space<hbm>> -> memref<1x125x80xi32, #tpu.memory_space<hbm>>
      %dma_start3A_17 = tpu.memref_squeeze %dma_start3A_16 : memref<1x125x80xi32, #tpu.memory_space<hbm>> -> memref<125x80xi32, #tpu.memory_space<hbm>>
      %dma_start3A_18 = arith.constant 0 : i32
      %dma_start3A_19 = arith.constant 0 : i32
      %dma_start3A_20 = tpu.memref_slice %arg2[%add3A, %dma_start3A_18, %dma_start3A_19] : memref<32x125x80xi32, #tpu.memory_space<hbm>> -> memref<1x125x80xi32, #tpu.memory_space<hbm>>
      %dma_start3A_21 = tpu.memref_squeeze %dma_start3A_20 : memref<1x125x80xi32, #tpu.memory_space<hbm>> -> memref<125x80xi32, #tpu.memory_space<hbm>>
      tpu.enqueue_dma source(%dma_start3A_21 : memref<125x80xi32, #tpu.memory_space<hbm>>) target(%arg6 : memref<125x80xi32, #tpu.memory_space<vmem>>) target_semaphore(%run_scoped3A : memref<!tpu.dma_semaphore, #tpu.memory_space<semaphore_mem>>)
      %dma_wait3A = arith.constant 0 : i32
      %dma_wait3A_22 = arith.constant 0 : i32
      %dma_wait3A_23 = tpu.memref_slice %arg2[%add3A, %dma_wait3A, %dma_wait3A_22] : memref<32x125x80xi32, #tpu.memory_space<hbm>> -> memref<1x125x80xi32, #tpu.memory_space<hbm>>
      %dma_wait3A_24 = tpu.memref_squeeze %dma_wait3A_23 : memref<1x125x80xi32, #tpu.memory_space<hbm>> -> memref<125x80xi32, #tpu.memory_space<hbm>>
      %dma_wait3A_25 = arith.constant 0 : i32
      %dma_wait3A_26 = arith.constant 0 : i32
      %dma_wait3A_27 = tpu.memref_slice %arg2[%add3A, %dma_wait3A_25, %dma_wait3A_26] : memref<32x125x80xi32, #tpu.memory_space<hbm>> -> memref<1x125x80xi32, #tpu.memory_space<hbm>>
      %dma_wait3A_28 = tpu.memref_squeeze %dma_wait3A_27 : memref<1x125x80xi32, #tpu.memory_space<hbm>> -> memref<125x80xi32, #tpu.memory_space<hbm>>
      tpu.wait_dma2 semaphore(%run_scoped3A : memref<!tpu.dma_semaphore, #tpu.memory_space<semaphore_mem>>) src(%dma_wait3A_28 : memref<125x80xi32, #tpu.memory_space<hbm>>) dst(%arg6 : memref<125x80xi32, #tpu.memory_space<vmem>>)
      tpu.yield
    }) : () -> ()
    "tpu.region"() ({
      %run_scoped3A = tpu.sem_alloc : memref<!tpu.dma_semaphore, #tpu.memory_space<semaphore_mem>>
      %dma_start3A = arith.constant 0 : i32
      %dma_start3A_15 = arith.constant 0 : i32
      %dma_start3A_16 = tpu.memref_slice %arg3[%add3A, %dma_start3A, %dma_start3A_15] : memref<32x125x80xi32, #tpu.memory_space<hbm>> -> memref<1x125x80xi32, #tpu.memory_space<hbm>>
      %dma_start3A_17 = tpu.memref_squeeze %dma_start3A_16 : memref<1x125x80xi32, #tpu.memory_space<hbm>> -> memref<125x80xi32, #tpu.memory_space<hbm>>
      %dma_start3A_18 = arith.constant 0 : i32
      %dma_start3A_19 = arith.constant 0 : i32
      %dma_start3A_20 = tpu.memref_slice %arg3[%add3A, %dma_start3A_18, %dma_start3A_19] : memref<32x125x80xi32, #tpu.memory_space<hbm>> -> memref<1x125x80xi32, #tpu.memory_space<hbm>>
      %dma_start3A_21 = tpu.memref_squeeze %dma_start3A_20 : memref<1x125x80xi32, #tpu.memory_space<hbm>> -> memref<125x80xi32, #tpu.memory_space<hbm>>
      tpu.enqueue_dma source(%dma_start3A_21 : memref<125x80xi32, #tpu.memory_space<hbm>>) target(%arg7 : memref<125x80xi32, #tpu.memory_space<vmem>>) target_semaphore(%run_scoped3A : memref<!tpu.dma_semaphore, #tpu.memory_space<semaphore_mem>>)
      %dma_wait3A = arith.constant 0 : i32
      %dma_wait3A_22 = arith.constant 0 : i32
      %dma_wait3A_23 = tpu.memref_slice %arg3[%add3A, %dma_wait3A, %dma_wait3A_22] : memref<32x125x80xi32, #tpu.memory_space<hbm>> -> memref<1x125x80xi32, #tpu.memory_space<hbm>>
      %dma_wait3A_24 = tpu.memref_squeeze %dma_wait3A_23 : memref<1x125x80xi32, #tpu.memory_space<hbm>> -> memref<125x80xi32, #tpu.memory_space<hbm>>
      %dma_wait3A_25 = arith.constant 0 : i32
      %dma_wait3A_26 = arith.constant 0 : i32
      %dma_wait3A_27 = tpu.memref_slice %arg3[%add3A, %dma_wait3A_25, %dma_wait3A_26] : memref<32x125x80xi32, #tpu.memory_space<hbm>> -> memref<1x125x80xi32, #tpu.memory_space<hbm>>
      %dma_wait3A_28 = tpu.memref_squeeze %dma_wait3A_27 : memref<1x125x80xi32, #tpu.memory_space<hbm>> -> memref<125x80xi32, #tpu.memory_space<hbm>>
      tpu.wait_dma2 semaphore(%run_scoped3A : memref<!tpu.dma_semaphore, #tpu.memory_space<semaphore_mem>>) src(%dma_wait3A_28 : memref<125x80xi32, #tpu.memory_space<hbm>>) dst(%arg7 : memref<125x80xi32, #tpu.memory_space<vmem>>)
      tpu.yield
    }) : () -> ()
    %mul3A_1 = arith.constant 640 : i32
    %mul3A_2 = arith.muli %arg1, %mul3A_1 : i32
    %mul3A_3 = arith.constant 640 : i32
    %mul3A_4 = arith.muli %arg1, %mul3A_3 : i32
    "tpu.region"() ({
      %run_scoped3A = tpu.sem_alloc : memref<!tpu.dma_semaphore, #tpu.memory_space<semaphore_mem>>
      %dma_start3A = arith.constant 0 : i32
      %dma_start3A_15 = tpu.memref_slice %arg9[%mul3A_4, %dma_start3A] : memref<10240x128xf32, #tpu.memory_space<vmem_shared>> -> memref<640x128xf32, #tpu.memory_space<vmem_shared>>
      %dma_start3A_16 = arith.constant 0 : i32
      %dma_start3A_17 = tpu.memref_slice %arg4[%mul3A_2, %dma_start3A_16] : memref<10240x128xf32, #tpu.memory_space<hbm>> -> memref<640x128xf32, #tpu.memory_space<hbm>>
      tpu.enqueue_dma source(%dma_start3A_17 : memref<640x128xf32, #tpu.memory_space<hbm>>) target(%dma_start3A_15 : memref<640x128xf32, #tpu.memory_space<vmem_shared>>) target_semaphore(%run_scoped3A : memref<!tpu.dma_semaphore, #tpu.memory_space<semaphore_mem>>)
      %dma_wait3A = arith.constant 0 : i32
      %dma_wait3A_18 = tpu.memref_slice %arg9[%mul3A_4, %dma_wait3A] : memref<10240x128xf32, #tpu.memory_space<vmem_shared>> -> memref<640x128xf32, #tpu.memory_space<vmem_shared>>
      %dma_wait3A_19 = arith.constant 0 : i32
      %dma_wait3A_20 = tpu.memref_slice %arg4[%mul3A_2, %dma_wait3A_19] : memref<10240x128xf32, #tpu.memory_space<hbm>> -> memref<640x128xf32, #tpu.memory_space<hbm>>
      tpu.wait_dma2 semaphore(%run_scoped3A : memref<!tpu.dma_semaphore, #tpu.memory_space<semaphore_mem>>) src(%dma_wait3A_20 : memref<640x128xf32, #tpu.memory_space<hbm>>) dst(%dma_wait3A_18 : memref<640x128xf32, #tpu.memory_space<vmem_shared>>)
      tpu.yield
    }) : () -> ()
    %barrier3A = arith.constant 0 : index
    tpu.barrier barrier_id(%barrier3A)
    %scan3A = arith.constant 0 : i32
    %scan3A_5 = arith.constant 0 : i32
    %scan3A_6 = arith.constant 125 : i32
    %scan3A_7 = arith.addi %scan3A_5, %scan3A_6 : i32
    %scan3A_8 = arith.constant 1 : i32
    scf.for %scan3A_15 = %scan3A_5 to %scan3A_7 step %scan3A_8  : i32 {
      "tpu.region"() ({
        %run_scoped3A = tpu.sem_alloc : memref<!tpu.dma_semaphore, #tpu.memory_space<semaphore_mem>>
        %dma_start3A = arith.constant 0 : i32
        %dma_start3A_16 = tpu.memref_slice %arg6[%scan3A_15, %dma_start3A] : memref<125x80xi32, #tpu.memory_space<vmem>> -> memref<1x80xi32, #tpu.memory_space<vmem>>
        %dma_start3A_17 = tpu.memref_squeeze %dma_start3A_16 : memref<1x80xi32, #tpu.memory_space<vmem>> -> memref<80xi32, #tpu.memory_space<vmem>>
        %dma_start3A_18 = arith.constant 0 : i32
        %dma_start3A_19 = arith.constant 0 : i32
        %dma_start3A_20 = tpu.memref_slice %arg4[%dma_start3A_18, %dma_start3A_19] : memref<10240x128xf32, #tpu.memory_space<hbm>> -> memref<10240x128xf32, #tpu.memory_space<hbm>>
        tpu.enqueue_indirect_dma source(%dma_start3A_20 : memref<10240x128xf32, #tpu.memory_space<hbm>>) target(%arg8 : memref<80x128xf32, #tpu.memory_space<vmem>>) offsets(%dma_start3A_17 : memref<80xi32, #tpu.memory_space<vmem>>) semaphore(%run_scoped3A : memref<!tpu.dma_semaphore, #tpu.memory_space<semaphore_mem>>)
        %dma_wait3A = arith.constant 0 : i32
        %dma_wait3A_21 = tpu.memref_slice %arg6[%scan3A_15, %dma_wait3A] : memref<125x80xi32, #tpu.memory_space<vmem>> -> memref<1x80xi32, #tpu.memory_space<vmem>>
        %dma_wait3A_22 = tpu.memref_squeeze %dma_wait3A_21 : memref<1x80xi32, #tpu.memory_space<vmem>> -> memref<80xi32, #tpu.memory_space<vmem>>
        %dma_wait3A_23 = arith.constant 0 : i32
        %dma_wait3A_24 = arith.constant 0 : i32
        %dma_wait3A_25 = tpu.memref_slice %arg4[%dma_wait3A_23, %dma_wait3A_24] : memref<10240x128xf32, #tpu.memory_space<hbm>> -> memref<10240x128xf32, #tpu.memory_space<hbm>>
        tpu.wait_indirect_dma semaphore(%run_scoped3A : memref<!tpu.dma_semaphore, #tpu.memory_space<semaphore_mem>>) src(%dma_wait3A_25 : memref<10240x128xf32, #tpu.memory_space<hbm>>) dst(%arg8 : memref<80x128xf32, #tpu.memory_space<vmem>>)
        tpu.yield
      }) : () -> ()
      "tpu.region"() ({
        %run_scoped3A = tpu.sem_alloc : memref<!tpu.dma_semaphore, #tpu.memory_space<semaphore_mem>>
        %dma_start3A = arith.constant 0 : i32
        %dma_start3A_16 = tpu.memref_slice %arg7[%scan3A_15, %dma_start3A] : memref<125x80xi32, #tpu.memory_space<vmem>> -> memref<1x80xi32, #tpu.memory_space<vmem>>
        %dma_start3A_17 = tpu.memref_squeeze %dma_start3A_16 : memref<1x80xi32, #tpu.memory_space<vmem>> -> memref<80xi32, #tpu.memory_space<vmem>>
        %dma_start3A_18 = arith.constant 0 : i32
        %dma_start3A_19 = arith.constant 0 : i32
        %dma_start3A_20 = tpu.memref_slice %arg9[%dma_start3A_18, %dma_start3A_19] : memref<10240x128xf32, #tpu.memory_space<vmem_shared>> -> memref<10240x128xf32, #tpu.memory_space<vmem_shared>>
        tpu.enqueue_indirect_dma source(%arg8 : memref<80x128xf32, #tpu.memory_space<vmem>>) target(%dma_start3A_20 : memref<10240x128xf32, #tpu.memory_space<vmem_shared>>) offsets(%dma_start3A_17 : memref<80xi32, #tpu.memory_space<vmem>>) semaphore(%run_scoped3A : memref<!tpu.dma_semaphore, #tpu.memory_space<semaphore_mem>>) {add = true}
        %dma_wait3A = arith.constant 0 : i32
        %dma_wait3A_21 = tpu.memref_slice %arg7[%scan3A_15, %dma_wait3A] : memref<125x80xi32, #tpu.memory_space<vmem>> -> memref<1x80xi32, #tpu.memory_space<vmem>>
        %dma_wait3A_22 = tpu.memref_squeeze %dma_wait3A_21 : memref<1x80xi32, #tpu.memory_space<vmem>> -> memref<80xi32, #tpu.memory_space<vmem>>
        %dma_wait3A_23 = arith.constant 0 : i32
        %dma_wait3A_24 = arith.constant 0 : i32
        %dma_wait3A_25 = tpu.memref_slice %arg9[%dma_wait3A_23, %dma_wait3A_24] : memref<10240x128xf32, #tpu.memory_space<vmem_shared>> -> memref<10240x128xf32, #tpu.memory_space<vmem_shared>>
        tpu.wait_indirect_dma semaphore(%run_scoped3A : memref<!tpu.dma_semaphore, #tpu.memory_space<semaphore_mem>>) src(%arg8 : memref<80x128xf32, #tpu.memory_space<vmem>>) dst(%dma_wait3A_25 : memref<10240x128xf32, #tpu.memory_space<vmem_shared>>)
        tpu.yield
      }) : () -> ()
    }
    %scan3A_9 = arith.constant 125 : i32
    %barrier3A_10 = arith.constant 0 : index
    tpu.barrier barrier_id(%barrier3A_10)
    %mul3A_11 = arith.constant 640 : i32
    %mul3A_12 = arith.muli %arg1, %mul3A_11 : i32
    %mul3A_13 = arith.constant 640 : i32
    %mul3A_14 = arith.muli %arg1, %mul3A_13 : i32
    "tpu.region"() ({
      %run_scoped3A = tpu.sem_alloc : memref<!tpu.dma_semaphore, #tpu.memory_space<semaphore_mem>>
      %dma_start3A = arith.constant 0 : i32
      %dma_start3A_15 = tpu.memref_slice %arg5[%arg0, %mul3A_14, %dma_start3A] : memref<2x10240x128xf32, #tpu.memory_space<hbm>> -> memref<1x640x128xf32, #tpu.memory_space<hbm>>
      %dma_start3A_16 = tpu.memref_squeeze %dma_start3A_15 : memref<1x640x128xf32, #tpu.memory_space<hbm>> -> memref<640x128xf32, #tpu.memory_space<hbm>>
      %dma_start3A_17 = arith.constant 0 : i32
      %dma_start3A_18 = tpu.memref_slice %arg9[%mul3A_12, %dma_start3A_17] : memref<10240x128xf32, #tpu.memory_space<vmem_shared>> -> memref<640x128xf32, #tpu.memory_space<vmem_shared>>
      tpu.enqueue_dma source(%dma_start3A_18 : memref<640x128xf32, #tpu.memory_space<vmem_shared>>) target(%dma_start3A_16 : memref<640x128xf32, #tpu.memory_space<hbm>>) target_semaphore(%run_scoped3A : memref<!tpu.dma_semaphore, #tpu.memory_space<semaphore_mem>>)
      %dma_wait3A = arith.constant 0 : i32
      %dma_wait3A_19 = tpu.memref_slice %arg5[%arg0, %mul3A_14, %dma_wait3A] : memref<2x10240x128xf32, #tpu.memory_space<hbm>> -> memref<1x640x128xf32, #tpu.memory_space<hbm>>
      %dma_wait3A_20 = tpu.memref_squeeze %dma_wait3A_19 : memref<1x640x128xf32, #tpu.memory_space<hbm>> -> memref<640x128xf32, #tpu.memory_space<hbm>>
      %dma_wait3A_21 = arith.constant 0 : i32
      %dma_wait3A_22 = tpu.memref_slice %arg9[%mul3A_12, %dma_wait3A_21] : memref<10240x128xf32, #tpu.memory_space<vmem_shared>> -> memref<640x128xf32, #tpu.memory_space<vmem_shared>>
      tpu.wait_dma2 semaphore(%run_scoped3A : memref<!tpu.dma_semaphore, #tpu.memory_space<semaphore_mem>>) src(%dma_wait3A_22 : memref<640x128xf32, #tpu.memory_space<vmem_shared>>) dst(%dma_wait3A_20 : memref<640x128xf32, #tpu.memory_space<hbm>>)
      tpu.yield
    }) : () -> ()
    return
  }
}

#map = affine_map<(d0, d1) -> (0, 0, 0)>
#map1 = affine_map<(d0, d1) -> (0, 0)>
module attributes {stable_mosaic.version = 14 : i64} {
  func.func @count(%arg0: i32, %arg1: i32, %arg2: memref<32x125x80xi32, #tpu.memory_space<hbm>>, %arg3: memref<32x10240xf32, #tpu.memory_space<hbm>>, %arg4: memref<125x80xi32, #tpu.memory_space<vmem>>, %arg5: memref<10240xf32, #tpu.memory_space<vmem>>) attributes {dimension_semantics = [#tpu.dimension_semantics<core_parallel>, #tpu.dimension_semantics<subcore_parallel>], iteration_bounds = array<i64: 2, 16>, scalar_prefetch = 0 : i64, scratch_operands = 2 : i64, tpu.core_type = #tpu.core_type<sc_vector_subcore>, window_params = [{transform_indices = #map}, {transform_indices = #map1}]} {
    %mul3A = arith.constant 16 : i32
    %mul3A_0 = arith.muli %arg0, %mul3A : i32
    %add3A = arith.addi %mul3A_0, %arg1 : i32
    "tpu.region"() ({
      %run_scoped3A = tpu.sem_alloc : memref<!tpu.dma_semaphore, #tpu.memory_space<semaphore_mem>>
      %dma_start3A = arith.constant 0 : i32
      %dma_start3A_13 = arith.constant 0 : i32
      %dma_start3A_14 = tpu.memref_slice %arg2[%add3A, %dma_start3A, %dma_start3A_13] : memref<32x125x80xi32, #tpu.memory_space<hbm>> -> memref<1x125x80xi32, #tpu.memory_space<hbm>>
      %dma_start3A_15 = tpu.memref_squeeze %dma_start3A_14 : memref<1x125x80xi32, #tpu.memory_space<hbm>> -> memref<125x80xi32, #tpu.memory_space<hbm>>
      %dma_start3A_16 = arith.constant 0 : i32
      %dma_start3A_17 = arith.constant 0 : i32
      %dma_start3A_18 = tpu.memref_slice %arg2[%add3A, %dma_start3A_16, %dma_start3A_17] : memref<32x125x80xi32, #tpu.memory_space<hbm>> -> memref<1x125x80xi32, #tpu.memory_space<hbm>>
      %dma_start3A_19 = tpu.memref_squeeze %dma_start3A_18 : memref<1x125x80xi32, #tpu.memory_space<hbm>> -> memref<125x80xi32, #tpu.memory_space<hbm>>
      tpu.enqueue_dma source(%dma_start3A_19 : memref<125x80xi32, #tpu.memory_space<hbm>>) target(%arg4 : memref<125x80xi32, #tpu.memory_space<vmem>>) target_semaphore(%run_scoped3A : memref<!tpu.dma_semaphore, #tpu.memory_space<semaphore_mem>>)
      %dma_wait3A = arith.constant 0 : i32
      %dma_wait3A_20 = arith.constant 0 : i32
      %dma_wait3A_21 = tpu.memref_slice %arg2[%add3A, %dma_wait3A, %dma_wait3A_20] : memref<32x125x80xi32, #tpu.memory_space<hbm>> -> memref<1x125x80xi32, #tpu.memory_space<hbm>>
      %dma_wait3A_22 = tpu.memref_squeeze %dma_wait3A_21 : memref<1x125x80xi32, #tpu.memory_space<hbm>> -> memref<125x80xi32, #tpu.memory_space<hbm>>
      %dma_wait3A_23 = arith.constant 0 : i32
      %dma_wait3A_24 = arith.constant 0 : i32
      %dma_wait3A_25 = tpu.memref_slice %arg2[%add3A, %dma_wait3A_23, %dma_wait3A_24] : memref<32x125x80xi32, #tpu.memory_space<hbm>> -> memref<1x125x80xi32, #tpu.memory_space<hbm>>
      %dma_wait3A_26 = tpu.memref_squeeze %dma_wait3A_25 : memref<1x125x80xi32, #tpu.memory_space<hbm>> -> memref<125x80xi32, #tpu.memory_space<hbm>>
      tpu.wait_dma2 semaphore(%run_scoped3A : memref<!tpu.dma_semaphore, #tpu.memory_space<semaphore_mem>>) src(%dma_wait3A_26 : memref<125x80xi32, #tpu.memory_space<hbm>>) dst(%arg4 : memref<125x80xi32, #tpu.memory_space<vmem>>)
      tpu.yield
    }) : () -> ()
    %scan3A = arith.constant 0 : i32
    %scan3A_1 = arith.constant 0 : i32
    %scan3A_2 = arith.constant 640 : i32
    %scan3A_3 = arith.addi %scan3A_1, %scan3A_2 : i32
    %scan3A_4 = arith.constant 1 : i32
    scf.for %scan3A_13 = %scan3A_1 to %scan3A_3 step %scan3A_4  : i32 {
      %broadcast_in_dim3A_14 = arith.constant 0.000000e+00 : f32
      %broadcast_in_dim3A_15 = vector.broadcast %broadcast_in_dim3A_14 : f32 to vector<16xf32>
      %mul3A_16 = arith.constant 16 : i32
      %mul3A_17 = arith.muli %scan3A_13, %mul3A_16 : i32
      %swap3A = arith.index_cast %mul3A_17 : i32 to index
      %swap3A_18 = tpu.vector_load %arg5[%swap3A] {strides = array<i32>} : memref<10240xf32, #tpu.memory_space<vmem>>, vector<16xf32>,
      tpu.vector_store %arg5[%swap3A], %broadcast_in_dim3A_15 {strides = array<i32>} : memref<10240xf32, #tpu.memory_space<vmem>>, vector<16xf32>,
    }
    %scan3A_5 = arith.constant 640 : i32
    %broadcast_in_dim3A = arith.constant 1.000000e+00 : f32
    %broadcast_in_dim3A_6 = vector.broadcast %broadcast_in_dim3A : f32 to vector<16xf32>
    %scan3A_7 = arith.constant 0 : i32
    %scan3A_8 = arith.constant 0 : i32
    %scan3A_9 = arith.constant 125 : i32
    %scan3A_10 = arith.addi %scan3A_8, %scan3A_9 : i32
    %scan3A_11 = arith.constant 1 : i32
    scf.for %scan3A_13 = %scan3A_8 to %scan3A_10 step %scan3A_11  : i32 {
      %scan3A_14 = arith.constant 0 : i32
      %scan3A_15 = arith.constant 5 : i32
      %scan3A_16 = arith.addi %scan3A_14, %scan3A_15 : i32
      %scan3A_17 = arith.constant 1 : i32
      scf.for %scan3A_19 = %scan3A_14 to %scan3A_16 step %scan3A_17  : i32 {
        %mul3A_20 = arith.constant 16 : i32
        %mul3A_21 = arith.muli %scan3A_19, %mul3A_20 : i32
        %get3A = arith.index_cast %scan3A_13 : i32 to index
        %get3A_22 = arith.index_cast %mul3A_21 : i32 to index
        %get3A_23 = tpu.vector_load %arg4[%get3A, %get3A_22] {strides = array<i32>} : memref<125x80xi32, #tpu.memory_space<vmem>>, vector<16xi32>,
        tpu.vector_store_idx %arg5[%get3A_23], %broadcast_in_dim3A_6 {add = true} : memref<10240xf32, #tpu.memory_space<vmem>>[vector<16xi32>], vector<16xf32>,
      }
      %scan3A_18 = arith.constant 5 : i32
    }
    %scan3A_12 = arith.constant 125 : i32
    "tpu.region"() ({
      %run_scoped3A = tpu.sem_alloc : memref<!tpu.dma_semaphore, #tpu.memory_space<semaphore_mem>>
      %dma_start3A = arith.constant 0 : i32
      %dma_start3A_13 = tpu.memref_slice %arg3[%add3A, %dma_start3A] : memref<32x10240xf32, #tpu.memory_space<hbm>> -> memref<1x10240xf32, #tpu.memory_space<hbm>>
      %dma_start3A_14 = tpu.memref_squeeze %dma_start3A_13 : memref<1x10240xf32, #tpu.memory_space<hbm>> -> memref<10240xf32, #tpu.memory_space<hbm>>
      %dma_start3A_15 = arith.constant 0 : i32
      %dma_start3A_16 = tpu.memref_slice %arg3[%add3A, %dma_start3A_15] : memref<32x10240xf32, #tpu.memory_space<hbm>> -> memref<1x10240xf32, #tpu.memory_space<hbm>>
      %dma_start3A_17 = tpu.memref_squeeze %dma_start3A_16 : memref<1x10240xf32, #tpu.memory_space<hbm>> -> memref<10240xf32, #tpu.memory_space<hbm>>
      tpu.enqueue_dma source(%arg5 : memref<10240xf32, #tpu.memory_space<vmem>>) target(%dma_start3A_17 : memref<10240xf32, #tpu.memory_space<hbm>>) target_semaphore(%run_scoped3A : memref<!tpu.dma_semaphore, #tpu.memory_space<semaphore_mem>>)
      %dma_wait3A = arith.constant 0 : i32
      %dma_wait3A_18 = tpu.memref_slice %arg3[%add3A, %dma_wait3A] : memref<32x10240xf32, #tpu.memory_space<hbm>> -> memref<1x10240xf32, #tpu.memory_space<hbm>>
      %dma_wait3A_19 = tpu.memref_squeeze %dma_wait3A_18 : memref<1x10240xf32, #tpu.memory_space<hbm>> -> memref<10240xf32, #tpu.memory_space<hbm>>
      %dma_wait3A_20 = arith.constant 0 : i32
      %dma_wait3A_21 = tpu.memref_slice %arg3[%add3A, %dma_wait3A_20] : memref<32x10240xf32, #tpu.memory_space<hbm>> -> memref<1x10240xf32, #tpu.memory_space<hbm>>
      %dma_wait3A_22 = tpu.memref_squeeze %dma_wait3A_21 : memref<1x10240xf32, #tpu.memory_space<hbm>> -> memref<10240xf32, #tpu.memory_space<hbm>>
      tpu.wait_dma2 semaphore(%run_scoped3A : memref<!tpu.dma_semaphore, #tpu.memory_space<semaphore_mem>>) src(%arg5 : memref<10240xf32, #tpu.memory_space<vmem>>) dst(%dma_wait3A_22 : memref<10240xf32, #tpu.memory_space<hbm>>)
      tpu.yield
    }) : () -> ()
    return
  }
}

module attributes {stable_mosaic.version = 14 : i64} {
  func.func @_mm1_body(%arg0: i32, %arg1: memref<2048x128xf32, #tpu.memory_space<vmem>>, %arg2: memref<2048x32xf32, #tpu.memory_space<vmem>>, %arg3: memref<128x128xf32, #tpu.memory_space<vmem>>, %arg4: memref<2048x128xf32, #tpu.memory_space<vmem>>) attributes {dimension_semantics = [#tpu.dimension_semantics<arbitrary>], iteration_bounds = array<i64: 5>, scalar_prefetch = 0 : i64, scratch_operands = 0 : i64, tpu.core_type = #tpu.core_type<tc>, window_params = [{transform_indices = @transform_0, window_bounds = array<i64: 2048, 128>}, {transform_indices = @transform_1, window_bounds = array<i64: 2048, 32>}, {pipeline_mode = #tpu.pipeline_mode<synchronous>, transform_indices = @transform_2, window_bounds = array<i64: 128, 128>}, {transform_indices = @transform_3, window_bounds = array<i64: 2048, 128>}]} {
    %get3A = arith.constant 0 : index
    %get3A_0 = arith.constant 0 : index
    %get3A_1 = vector.load %arg2[%get3A, %get3A_0] : memref<2048x32xf32, #tpu.memory_space<vmem>>, vector<2048x32xf32>
    %reduce_sum3A = arith.constant dense<0.000000e+00> : vector<2048xf32>
    %reduce_sum3A_2 = vector.multi_reduction <add>, %get3A_1, %reduce_sum3A [1] : vector<2048x32xf32> to vector<2048xf32>
    %broadcast_in_dim3A = vector.shape_cast %reduce_sum3A_2 : vector<2048xf32> to vector<2048x1xf32>
    %add3A = arith.constant 1.000000e+00 : f32
    %add3A_3 = vector.broadcast %add3A : f32 to vector<2048x1xf32>
    %add3A_4 = arith.addf %add3A_3, %broadcast_in_dim3A : vector<2048x1xf32>
    %rsqrt3A = math.rsqrt %add3A_4 : vector<2048x1xf32>
    %get3A_5 = arith.constant 0 : index
    %get3A_6 = arith.constant 0 : index
    %get3A_7 = vector.load %arg1[%get3A_5, %get3A_6] : memref<2048x128xf32, #tpu.memory_space<vmem>>, vector<2048x128xf32>
    %get3A_8 = arith.constant 0 : index
    %get3A_9 = arith.constant 0 : index
    %get3A_10 = vector.load %arg3[%get3A_8, %get3A_9] : memref<128x128xf32, #tpu.memory_space<vmem>>, vector<128x128xf32>
    %dot_general3A = arith.constant dense<0.000000e+00> : vector<2048x128xf32>
    %dot_general3A_11 = tpu.matmul %get3A_7, %get3A_10, %dot_general3A {dimension_numbers = #tpu.dot_dimension_numbers<[1], [0], [0], [1], [0, 0, 1, 1], [], []>, transpose_lhs_hint = false} : vector<2048x128xf32>, vector<128x128xf32>, vector<2048x128xf32> -> vector<2048x128xf32>
    %mul3A = vector.broadcast %rsqrt3A : vector<2048x1xf32> to vector<2048x128xf32>
    %mul3A_12 = arith.mulf %dot_general3A_11, %mul3A : vector<2048x128xf32>
    %swap3A = arith.constant 0 : index
    %swap3A_13 = arith.constant 0 : index
    %swap3A_14 = vector.load %arg4[%swap3A, %swap3A_13] : memref<2048x128xf32, #tpu.memory_space<vmem>>, vector<2048x128xf32>
    tpu.vector_store %arg4[%swap3A, %swap3A_13], %mul3A_12 {strides = array<i32>} : memref<2048x128xf32, #tpu.memory_space<vmem>>, vector<2048x128xf32>,
    return
  }
  func.func @transform_0(%arg0: i32) -> (i32, i32) {
    %c0_i32 = arith.constant 0 : i32
    %c0_i32_0 = arith.constant 0 : i32
    return %arg0, %c0_i32 : i32, i32
  }
  func.func @transform_1(%arg0: i32) -> (i32, i32) {
    %c0_i32 = arith.constant 0 : i32
    %c0_i32_0 = arith.constant 0 : i32
    return %arg0, %c0_i32 : i32, i32
  }
  func.func @transform_2(%arg0: i32) -> (i32, i32) {
    %c0_i32 = arith.constant 0 : i32
    %c0_i32_0 = arith.constant 0 : i32
    %c0_i32_1 = arith.constant 0 : i32
    return %c0_i32, %c0_i32_0 : i32, i32
  }
  func.func @transform_3(%arg0: i32) -> (i32, i32) {
    %c0_i32 = arith.constant 0 : i32
    %c0_i32_0 = arith.constant 0 : i32
    return %arg0, %c0_i32 : i32, i32
  }
}

module attributes {stable_mosaic.version = 14 : i64} {
  func.func @_epi_mm2_body(%arg0: i32, %arg1: memref<2x2048x128xf32, #tpu.memory_space<vmem>>, %arg2: memref<2048x128xf32, #tpu.memory_space<vmem>>, %arg3: memref<2048x32xf32, #tpu.memory_space<vmem>>, %arg4: memref<1x128xf32, #tpu.memory_space<vmem>>, %arg5: memref<128x64xf32, #tpu.memory_space<vmem>>, %arg6: memref<2048x128xf32, #tpu.memory_space<vmem>>) attributes {dimension_semantics = [#tpu.dimension_semantics<arbitrary>], iteration_bounds = array<i64: 5>, scalar_prefetch = 0 : i64, scratch_operands = 0 : i64, tpu.core_type = #tpu.core_type<tc>, window_params = [{transform_indices = @transform_0, window_bounds = array<i64: 2, 2048, 128>}, {transform_indices = @transform_1, window_bounds = array<i64: 2048, 128>}, {transform_indices = @transform_2, window_bounds = array<i64: 2048, 32>}, {pipeline_mode = #tpu.pipeline_mode<synchronous>, transform_indices = @transform_3, window_bounds = array<i64: 1, 128>}, {pipeline_mode = #tpu.pipeline_mode<synchronous>, transform_indices = @transform_4, window_bounds = array<i64: 128, 64>}, {transform_indices = @transform_5, window_bounds = array<i64: 2048, 128>}]} {
    %get3A = arith.constant 0 : index
    %get3A_0 = arith.constant 0 : index
    %get3A_1 = vector.load %arg3[%get3A, %get3A_0] : memref<2048x32xf32, #tpu.memory_space<vmem>>, vector<2048x32xf32>
    %reduce_sum3A = arith.constant dense<0.000000e+00> : vector<2048xf32>
    %reduce_sum3A_2 = vector.multi_reduction <add>, %get3A_1, %reduce_sum3A [1] : vector<2048x32xf32> to vector<2048xf32>
    %broadcast_in_dim3A = vector.shape_cast %reduce_sum3A_2 : vector<2048xf32> to vector<2048x1xf32>
    %add3A = arith.constant 1.000000e+00 : f32
    %add3A_3 = vector.broadcast %add3A : f32 to vector<2048x1xf32>
    %add3A_4 = arith.addf %add3A_3, %broadcast_in_dim3A : vector<2048x1xf32>
    %rsqrt3A = math.rsqrt %add3A_4 : vector<2048x1xf32>
    %get3A_5 = arith.constant 0 : index
    %get3A_6 = arith.constant 0 : index
    %get3A_7 = arith.constant 0 : index
    %get3A_8 = vector.load %arg1[%get3A_5, %get3A_6, %get3A_7] : memref<2x2048x128xf32, #tpu.memory_space<vmem>>, vector<1x2048x128xf32>
    %get3A_9 = vector.shape_cast %get3A_8 : vector<1x2048x128xf32> to vector<2048x128xf32>
    %get3A_10 = arith.constant 1 : index
    %get3A_11 = arith.constant 0 : index
    %get3A_12 = arith.constant 0 : index
    %get3A_13 = vector.load %arg1[%get3A_10, %get3A_11, %get3A_12] : memref<2x2048x128xf32, #tpu.memory_space<vmem>>, vector<1x2048x128xf32>
    %get3A_14 = vector.shape_cast %get3A_13 : vector<1x2048x128xf32> to vector<2048x128xf32>
    %add3A_15 = arith.addf %get3A_9, %get3A_14 : vector<2048x128xf32>
    %get3A_16 = arith.constant 0 : index
    %get3A_17 = arith.constant 0 : index
    %get3A_18 = vector.load %arg2[%get3A_16, %get3A_17] : memref<2048x128xf32, #tpu.memory_space<vmem>>, vector<2048x128xf32>
    %sub3A = arith.subf %add3A_15, %get3A_18 : vector<2048x128xf32>
    %mul3A = vector.broadcast %rsqrt3A : vector<2048x1xf32> to vector<2048x128xf32>
    %mul3A_19 = arith.mulf %sub3A, %mul3A : vector<2048x128xf32>
    %get3A_20 = arith.constant 0 : index
    %get3A_21 = arith.constant 0 : index
    %get3A_22 = vector.load %arg4[%get3A_20, %get3A_21] : memref<1x128xf32, #tpu.memory_space<vmem>>, vector<1x128xf32>
    %add3A_23 = vector.broadcast %get3A_22 : vector<1x128xf32> to vector<2048x128xf32>
    %add3A_24 = arith.addf %mul3A_19, %add3A_23 : vector<2048x128xf32>
    %max3A = arith.constant 0.000000e+00 : f32
    %max3A_25 = vector.broadcast %max3A : f32 to vector<2048x128xf32>
    %max3A_26 = arith.maximumf %add3A_24, %max3A_25 : vector<2048x128xf32>
    %get3A_27 = arith.constant 0 : index
    %get3A_28 = arith.constant 0 : index
    %get3A_29 = vector.load %arg5[%get3A_27, %get3A_28] : memref<128x64xf32, #tpu.memory_space<vmem>>, vector<128x64xf32>
    %dot_general3A = arith.constant dense<0.000000e+00> : vector<2048x64xf32>
    %dot_general3A_30 = tpu.matmul %max3A_26, %get3A_29, %dot_general3A {dimension_numbers = #tpu.dot_dimension_numbers<[1], [0], [0], [1], [0, 0, 1, 1], [], []>, transpose_lhs_hint = false} : vector<2048x128xf32>, vector<128x64xf32>, vector<2048x64xf32> -> vector<2048x64xf32>
    %mul3A_31 = vector.broadcast %rsqrt3A : vector<2048x1xf32> to vector<2048x64xf32>
    %mul3A_32 = arith.mulf %dot_general3A_30, %mul3A_31 : vector<2048x64xf32>
    %broadcast_in_dim3A_33 = arith.constant 0.000000e+00 : f32
    %broadcast_in_dim3A_34 = vector.broadcast %broadcast_in_dim3A_33 : f32 to vector<2048x64xf32>
    %concatenate3A = tpu.concatenate %mul3A_32, %broadcast_in_dim3A_34 in 1 : vector<2048x64xf32>, vector<2048x64xf32> -> vector<2048x128xf32>
    %swap3A = arith.constant 0 : index
    %swap3A_35 = arith.constant 0 : index
    %swap3A_36 = vector.load %arg6[%swap3A, %swap3A_35] : memref<2048x128xf32, #tpu.memory_space<vmem>>, vector<2048x128xf32>
    tpu.vector_store %arg6[%swap3A, %swap3A_35], %concatenate3A {strides = array<i32>} : memref<2048x128xf32, #tpu.memory_space<vmem>>, vector<2048x128xf32>,
    return
  }
  func.func @transform_0(%arg0: i32) -> (i32, i32, i32) {
    %c0_i32 = arith.constant 0 : i32
    %c0_i32_0 = arith.constant 0 : i32
    %c0_i32_1 = arith.constant 0 : i32
    return %c0_i32, %arg0, %c0_i32_0 : i32, i32, i32
  }
  func.func @transform_1(%arg0: i32) -> (i32, i32) {
    %c0_i32 = arith.constant 0 : i32
    %c0_i32_0 = arith.constant 0 : i32
    return %arg0, %c0_i32 : i32, i32
  }
  func.func @transform_2(%arg0: i32) -> (i32, i32) {
    %c0_i32 = arith.constant 0 : i32
    %c0_i32_0 = arith.constant 0 : i32
    return %arg0, %c0_i32 : i32, i32
  }
  func.func @transform_3(%arg0: i32) -> (i32, i32) {
    %c0_i32 = arith.constant 0 : i32
    %c0_i32_0 = arith.constant 0 : i32
    %c0_i32_1 = arith.constant 0 : i32
    return %c0_i32, %c0_i32_0 : i32, i32
  }
  func.func @transform_4(%arg0: i32) -> (i32, i32) {
    %c0_i32 = arith.constant 0 : i32
    %c0_i32_0 = arith.constant 0 : i32
    %c0_i32_1 = arith.constant 0 : i32
    return %c0_i32, %c0_i32_0 : i32, i32
  }
  func.func @transform_5(%arg0: i32) -> (i32, i32) {
    %c0_i32 = arith.constant 0 : i32
    %c0_i32_0 = arith.constant 0 : i32
    return %arg0, %c0_i32 : i32, i32
  }
}

module attributes {stable_mosaic.version = 14 : i64} {
  func.func @_final_body(%arg0: i32, %arg1: memref<2x2048x128xf32, #tpu.memory_space<vmem>>, %arg2: memref<2048x128xf32, #tpu.memory_space<vmem>>, %arg3: memref<2048x32xf32, #tpu.memory_space<vmem>>, %arg4: memref<1x64xf32, #tpu.memory_space<vmem>>, %arg5: memref<2048x64xf32, #tpu.memory_space<vmem>>) attributes {dimension_semantics = [#tpu.dimension_semantics<arbitrary>], iteration_bounds = array<i64: 5>, scalar_prefetch = 0 : i64, scratch_operands = 0 : i64, tpu.core_type = #tpu.core_type<tc>, window_params = [{transform_indices = @transform_0, window_bounds = array<i64: 2, 2048, 128>}, {transform_indices = @transform_1, window_bounds = array<i64: 2048, 128>}, {transform_indices = @transform_2, window_bounds = array<i64: 2048, 32>}, {pipeline_mode = #tpu.pipeline_mode<synchronous>, transform_indices = @transform_3, window_bounds = array<i64: 1, 64>}, {transform_indices = @transform_4, window_bounds = array<i64: 2048, 64>}]} {
    %get3A = arith.constant 0 : index
    %get3A_0 = arith.constant 0 : index
    %get3A_1 = vector.load %arg3[%get3A, %get3A_0] : memref<2048x32xf32, #tpu.memory_space<vmem>>, vector<2048x32xf32>
    %reduce_sum3A = arith.constant dense<0.000000e+00> : vector<2048xf32>
    %reduce_sum3A_2 = vector.multi_reduction <add>, %get3A_1, %reduce_sum3A [1] : vector<2048x32xf32> to vector<2048xf32>
    %broadcast_in_dim3A = vector.shape_cast %reduce_sum3A_2 : vector<2048xf32> to vector<2048x1xf32>
    %add3A = arith.constant 1.000000e+00 : f32
    %add3A_3 = vector.broadcast %add3A : f32 to vector<2048x1xf32>
    %add3A_4 = arith.addf %add3A_3, %broadcast_in_dim3A : vector<2048x1xf32>
    %rsqrt3A = math.rsqrt %add3A_4 : vector<2048x1xf32>
    %get3A_5 = arith.constant 0 : index
    %get3A_6 = arith.constant 0 : index
    %get3A_7 = arith.constant 0 : index
    %get3A_8 = vector.load %arg1[%get3A_5, %get3A_6, %get3A_7] : memref<2x2048x128xf32, #tpu.memory_space<vmem>>, vector<1x2048x128xf32>
    %get3A_9 = vector.shape_cast %get3A_8 : vector<1x2048x128xf32> to vector<2048x128xf32>
    %slice3A = vector.extract_strided_slice %get3A_9 {offsets = [0, 0], sizes = [2048, 64], strides = [1, 1]} : vector<2048x128xf32> to vector<2048x64xf32>
    %get3A_10 = arith.constant 1 : index
    %get3A_11 = arith.constant 0 : index
    %get3A_12 = arith.constant 0 : index
    %get3A_13 = vector.load %arg1[%get3A_10, %get3A_11, %get3A_12] : memref<2x2048x128xf32, #tpu.memory_space<vmem>>, vector<1x2048x128xf32>
    %get3A_14 = vector.shape_cast %get3A_13 : vector<1x2048x128xf32> to vector<2048x128xf32>
    %slice3A_15 = vector.extract_strided_slice %get3A_14 {offsets = [0, 0], sizes = [2048, 64], strides = [1, 1]} : vector<2048x128xf32> to vector<2048x64xf32>
    %add3A_16 = arith.addf %slice3A, %slice3A_15 : vector<2048x64xf32>
    %get3A_17 = arith.constant 0 : index
    %get3A_18 = arith.constant 0 : index
    %get3A_19 = vector.load %arg2[%get3A_17, %get3A_18] : memref<2048x128xf32, #tpu.memory_space<vmem>>, vector<2048x64xf32>
    %sub3A = arith.subf %add3A_16, %get3A_19 : vector<2048x64xf32>
    %mul3A = vector.broadcast %rsqrt3A : vector<2048x1xf32> to vector<2048x64xf32>
    %mul3A_20 = arith.mulf %sub3A, %mul3A : vector<2048x64xf32>
    %get3A_21 = arith.constant 0 : index
    %get3A_22 = arith.constant 0 : index
    %get3A_23 = vector.load %arg4[%get3A_21, %get3A_22] : memref<1x64xf32, #tpu.memory_space<vmem>>, vector<1x64xf32>
    %add3A_24 = vector.broadcast %get3A_23 : vector<1x64xf32> to vector<2048x64xf32>
    %add3A_25 = arith.addf %mul3A_20, %add3A_24 : vector<2048x64xf32>
    %swap3A = arith.constant 0 : index
    %swap3A_26 = arith.constant 0 : index
    %swap3A_27 = vector.load %arg5[%swap3A, %swap3A_26] : memref<2048x64xf32, #tpu.memory_space<vmem>>, vector<2048x64xf32>
    tpu.vector_store %arg5[%swap3A, %swap3A_26], %add3A_25 {strides = array<i32>} : memref<2048x64xf32, #tpu.memory_space<vmem>>, vector<2048x64xf32>,
    return
  }
  func.func @transform_0(%arg0: i32) -> (i32, i32, i32) {
    %c0_i32 = arith.constant 0 : i32
    %c0_i32_0 = arith.constant 0 : i32
    %c0_i32_1 = arith.constant 0 : i32
    return %c0_i32, %arg0, %c0_i32_0 : i32, i32, i32
  }
  func.func @transform_1(%arg0: i32) -> (i32, i32) {
    %c0_i32 = arith.constant 0 : i32
    %c0_i32_0 = arith.constant 0 : i32
    return %arg0, %c0_i32 : i32, i32
  }
  func.func @transform_2(%arg0: i32) -> (i32, i32) {
    %c0_i32 = arith.constant 0 : i32
    %c0_i32_0 = arith.constant 0 : i32
    return %arg0, %c0_i32 : i32, i32
  }
  func.func @transform_3(%arg0: i32) -> (i32, i32) {
    %c0_i32 = arith.constant 0 : i32
    %c0_i32_0 = arith.constant 0 : i32
    %c0_i32_1 = arith.constant 0 : i32
    return %c0_i32, %c0_i32_0 : i32, i32
  }
  func.func @transform_4(%arg0: i32) -> (i32, i32) {
    %c0_i32 = arith.constant 0 : i32
    %c0_i32_0 = arith.constant 0 : i32
    return %arg0, %c0_i32 : i32, i32
  }
}

</mosaic_0001>

<sc_bundles>
// kernel: kernel.11.cloned.1.call-start
scs
__scs_entry_jumppad:
0x0: {  	(pc) =	sbr.rel $0x88, $3  }
0x1: {  	(tag) =	ssettag $0x0;
	lr =	simm.s32 $0x1  }
0x2: {  	[smem:$0x3F9B] =	sst lr;
	_ =	strace $0xD0000000  }
0x3: {  	_ = 	snop  }
0x4: {  	_ = 	snop  }
0x5: {  	_ = 	snop  }
0x6: {  	_ = 	snop  }
0x7: {  	_ = 	snop  }
__scs_overlays_trampoline_lowered:
0x8: {  	[smem:$0x3FAA] =	sst s0  }
0x9: {  	[smem:$0x3FAB] =	sst s1  }
0xa: {  	[smem:$0x3FAC] =	sst s2  }
0xb: {  	[smem:$0x3FAD] =	sst s3  }
0xc: {  	[smem:$0x3FAE] =	sst s4  }
0xd: {  	[smem:$0x3FAF] =	sst s5  }
0xe: {  	[smem:$0x3FB0] =	sst s6  }
0xf: {  	[smem:$0x3FB1] =	sst s7  }
0x10: {  	[smem:$0x3FB2] =	sst s8  }
0x11: {  	[smem:$0x3FB3] =	sst s9;
	s0 =	simm.s32 @!p0 $0x0  }
0x12: {  	s1 =	sld [smem:$0x3F99];
	s0 =	simm.s32 @p0 $0x1  }
0x13: {  	[smem:$0x3FB4] =	sst s0;
	s0 =	simm.s32 @!p1 $0x0  }
0x14: {  	s2 =	sld [smem:$0x3F98];
	s0 =	simm.s32 @p1 $0x1  }
0x15: {  	[smem:$0x3FB5] =	sst s0;
	s0 =	simm.s32 @!p2 $0x0  }
0x16: {  	s3 =	sld [smem:$0x3FDB];
	s0 =	simm.s32 @p2 $0x1  }
0x17: {  	s4 =	simm.s32 $0x1BF5;
	[smem:$0x3FB7] =	sst s0  }
0x18: {  	s0 =	sld [smem:$0x3F9A];
	_ =	swait.ge [sflag:s4], $0x0  }
0x19: {  	s7 =	sld [smem:$0x3F9B]  }
0x1a: {  	s8 =	sadd.s32 $0xFFFFE003, lr  }
0x1b: {  	s9 =	sadd.s32 $0xFFFFFEF7, lr;
	s5 =	simm.s32 $0xFFFFFFFF;
	p2 =	slt.u32 s8, $0xFFFFF086  }
0x1c: {  	p1 =	slt.u32 s9, $0xF7A;
	s5 =	simm.s32 @!p2 $0x0  }
0x1d: {  	s5 =	simm.s32 @p1 $0x1;
	p0 =	seq.s32 s7, s2  }
0x1e: {  	s7 =	smul.u32 @!p0 $0xF7A, s2;
	p2 =	seq.s32 @!p0 s5, $0x0  }
0x1f: {  	s9 =	smul.u32 $0xF7A, s1;
	s8 =	simm.s32 @!p0 $0x1BF5;
	p2 =	por !p2, p0  }
0x20: {  	[sflag:s8] =	ssyncset.s32 @!p0 $0xFFFFF086;
	s6 =	sadd.s32 @!p0 s3, s7;
	s7 =	simm.s32 @!p0 $0x108  }
0x21: {  	s3 =	sadd.s32 s3, s9;
	s6 =	sadd.s32 @!p0 $0x88, s6;
	s7 =	simm.s32 @p2 $0x1082  }
0x22: {  	[simem:s7], [sflag:s8] =	dma.local @!p0 [hbm:s6], $0xF7A  }
0x23: {  	s9 =	sor.u32 $0xD0000000, s2;
	s6 =	simm.s32 $0x108;
	_ =	swait.ge @!p0 [sflag:s8], $0x0  }
0x24: {  	s3 =	sadd.s32 $0x88, s3;
	s6 =	simm.s32 @!p1 $0x1082;
	[sflag:s4] =	ssyncset.s32 $0xFFFFF086  }
0x25: {  	[simem:s6], [sflag:s4] =	dma.local [hbm:s3], $0xF7A  }
0x26: {  	[smem:$0x3F9B] =	sst s1;
	(tag) =	ssettag s2;
	_ =	strace s9  }
0x27: {  	s1 =	sld [smem:$0x3FAB]  }
0x28: {  	s2 =	sld [smem:$0x3FAC]  }
0x29: {  	s4 =	sld [smem:$0x3FAE]  }
0x2a: {  	p0 =	seq.s32 s5, $0x0;
	s5 =	sld [smem:$0x3FAF]  }
0x2b: {  	s6 =	sld [smem:$0x3FB0]  }
0x2c: {  	s7 =	sld [smem:$0x3FB1]  }
0x2d: {  	s3 =	simm.s32 $0x108;
	s8 =	sld [smem:$0x3FB2]  }
0x2e: {  	s3 =	simm.s32 @!p0 $0x1082;
	s9 =	sld [smem:$0x3FB3]  }
0x2f: {  	lr =	sadd.s32 s0, s3;
	s0 =	sld [smem:$0x3FAA]  }
0x30: {  	s3 =	sld [smem:$0x3FAD]  }
0x31: {  	[smem:$0x3FB6] =	sst s10  }
0x32: {  	s10 =	sld [smem:$0x3FB4];
	_ =	sdelay $0x3  }
0x33: {  	p0 =	seq.s32 s10, $0x1;
	s10 =	sld [smem:$0x3FB6];
	_ =	sdelay $0x3  }
0x34: {  	[smem:$0x3FB6] =	sst s10  }
0x35: {  	s10 =	sld [smem:$0x3FB5];
	_ =	sdelay $0x3  }
0x36: {  	p1 =	seq.s32 s10, $0x1;
	s10 =	sld [smem:$0x3FB6];
	_ =	sdelay $0x3  }
0x37: {  	[smem:$0x3FB6] =	sst s10  }
0x38: {  	s10 =	sld [smem:$0x3FB7]  }
0x39: {  	_ = 	snop;
	(pc) =	sbr.ind lr, $3  }
0x3a: {  	_ = 	snop  }
0x3b: {  	_ = 	snop  }
0x3c: {  	p2 =	seq.s32 s10, $0x1;
	s10 =	sld [smem:$0x3FB6]  }
0x3d: {  	_ =	shalt  }
0x3e: {  	_ =	shalt  }
0x3f: {  	_ =	shalt  }
0x40: {  	_ =	shalt  }
0x41: {  	_ =	shalt  }
0x42: {  	_ =	shalt  }
0x43: {  	_ =	shalt  }
0x44: {  	_ =	shalt  }
0x45: {  	_ =	shalt  }
0x46: {  	_ =	shalt  }
0x47: {  	_ =	shalt  }
0x48: {  	_ =	shalt  }
0x49: {  	_ =	shalt  }
0x4a: {  	_ =	shalt  }
0x4b: {  	_ =	shalt  }
0x4c: {  	_ =	shalt  }
0x4d: {  	_ =	shalt  }
0x4e: {  	_ =	shalt  }
0x4f: {  	_ =	shalt  }
0x50: {  	_ =	shalt  }
0x51: {  	_ =	shalt  }
0x52: {  	_ =	shalt  }
0x53: {  	_ =	shalt  }
0x54: {  	_ =	shalt  }
0x55: {  	_ =	shalt  }
0x56: {  	_ =	shalt  }
0x57: {  	_ =	shalt  }
0x58: {  	_ =	shalt  }
0x59: {  	_ =	shalt  }
0x5a: {  	_ =	shalt  }
0x5b: {  	_ =	shalt  }
0x5c: {  	_ =	shalt  }
0x5d: {  	_ =	shalt  }
0x5e: {  	_ =	shalt  }
0x5f: {  	_ =	shalt  }
0x60: {  	_ =	shalt  }
0x61: {  	_ =	shalt  }
0x62: {  	_ =	shalt  }
0x63: {  	_ =	shalt  }
0x64: {  	_ =	shalt  }
0x65: {  	_ =	shalt  }
0x66: {  	_ =	shalt  }
0x67: {  	_ =	shalt  }
0x68: {  	_ =	shalt  }
0x69: {  	_ =	shalt  }
0x6a: {  	_ =	shalt  }
0x6b: {  	_ =	shalt  }
0x6c: {  	_ =	shalt  }
0x6d: {  	_ =	shalt  }
0x6e: {  	_ =	shalt  }
0x6f: {  	_ =	shalt  }
0x70: {  	_ =	shalt  }
0x71: {  	_ =	shalt  }
0x72: {  	_ =	shalt  }
0x73: {  	_ =	shalt  }
0x74: {  	_ =	shalt  }
0x75: {  	_ =	shalt  }
0x76: {  	_ =	shalt  }
0x77: {  	_ =	shalt  }
0x78: {  	_ =	shalt  }
0x79: {  	_ =	shalt  }
0x7a: {  	_ =	shalt  }
0x7b: {  	_ =	shalt  }
0x7c: {  	_ =	shalt  }
0x7d: {  	_ =	shalt  }
0x7e: {  	_ =	shalt  }
0x7f: {  	_ =	shalt  }
0x80: {  	_ =	shalt  }
0x81: {  	_ =	shalt  }
0x82: {  	_ =	shalt  }
0x83: {  	_ =	shalt  }
0x84: {  	_ =	shalt  }
0x85: {  	_ =	shalt  }
0x86: {  	_ =	shalt  }
0x87: {  	_ =	shalt  }
.Lfunc_end0:
.L_simem_size_0:
called_computation.1_lowered:
.L_overlay_start_0:
0x88: {  	s2 =	sld [smem:$0x3FD9]  }
0x89: {  	s3 =	sld [smem:$0x3FFE];
	_ =	sdelay $0x1  }
0x8a: {  	s1 =	srdreg.scid  }
0x8b: {  	s0 =	sand.u32 $0x1, s1  }
0x8c: {  	s17 =	sshll.u32 s0, $0xA;
	s2 =	sadd.s32 s3, s2  }
0x8d: {  	s2 =	sadd.s32 s2, s17  }
0x8e: {  	[smem:$0x3FC2] =	sst s2  }
0x8f: {  	_ = 	snop  }
0x90: {  	s2 =	sld [smem:$0x3FD0];
	(tm) =	ssettm $0x1  }
0x91: {  	s18 =	sld [smem:$0x3FFB];
	_ =	sdelay $0x3  }
0x92: {  	_ =	strace s18  }
0x93: {  	s3 =	sld [smem:$0x3FFC];
	_ =	sdelay $0x3  }
0x94: {  	_ =	strace s3  }
0x95: {  	s3 =	sld [smem:$0x3FFD];
	_ =	sdelay $0x3  }
0x96: {  	_ =	strace s3  }
0x97: {  	_ =	strace $0x8FFFFFFF  }
0x98: {  	s19 =	sld [smem:$0x3FDB];
	_ =	sdelay $0x1  }
0x99: {  	s4 =	simm.s32 $_scs_section_size  }
0x9a: {  	s5 =	simm.s32 $_size__tile_overlayer_lowered;
	s6 =	simm.s32 $_tile_overlayer_lowered  }
0x9b: {  	s22 =	simm.s32 $0x1BFF;
	s21 =	sshll.u32 s6, $0x1;
	s3 =	sadd.s32 s4, s19  }
0x9c: {  	s7 =	simm.s32 $0x0;
	s20 =	sshll.u32 s5, $0x1;
	s5 =	sadd.s32 s21, s3  }
0x9d: {  	[timem:s7], [sflag:s22] =	dma.local [hbm:s5], s20  }
0x9e: {  	_ =	swait.ge [sflag:s22], s20  }
0x9f: {  	s4 =	ssub.s32 $0x0, s20;
	[sflag:s22] =	ssyncset.done $0x0  }
0xa0: {  	[sflag:s22] =	ssyncadd.s32 s4;
	_ =	sdelay $0x1  }
0xa1: {  	s23 =	simm.s32 $0x1B8B  }
0xa2: {  	_ =	swait.ge [sflag:s23], $0x1  }
0xa3: {  	[sflag:s23] =	ssyncset.done $0x0  }
0xa4: {  	s25 =	simm.s32 $0x1B8E;
	s24 =	sld [smem:$0x3FFE];
	[sflag:s23] =	ssyncadd.s32 $0xFFFFFFFF  }
0xa5: {  	s26 =	simm.s32 $execute0_lowered;
	[smem:$0x3FD2] =	sst s25  }
0xa6: {  	s5 =	sshll.u32 s26, $0x1;
	_ =	strace $0x80000049;
	[dreg:$0x1] =	wrdreg $0xFFFFFFFF  }
0xa7: {  	s28 =	simm.s32 $_size_execute0_lowered;
	s3 =	sadd.s32 s3, s5;
	[dreg:$0x0] =	wrdreg $0x0  }
0xa8: {  	s5 =	sshll.u32 s28, $0x1;
	[dreg:$0x2] =	wrdreg s3  }
0xa9: {  	[dreg:$0x3] =	wrdreg s5  }
0xaa: {  	[dreg:$0x4] =	wrdreg $0xC0  }
0xab: {  	_ =	task [dreg:s7], $0x5FFFF  }
0xac: {  	[dreg:$0x1] =	wrdreg $0xFFFFFFFF  }
0xad: {  	[dreg:$0x0] =	wrdreg $0x60  }
0xae: {  	[dreg:$0x2] =	wrdreg s2  }
0xaf: {  	[dreg:$0x3] =	wrdreg s24  }
0xb0: {  	[dreg:$0x4] =	wrdreg $0xA8000  }
0xb1: {  	[dreg:$0x5] =	wrdreg $0x9  }
0xb2: {  	_ =	task.clear_ibuf [dreg:s7], $0x6FFFF;
	_ =	strace $0x90000049  }
0xb3: {  	s29 =	simm.s32 $0x9;
	_ =	strace $0x8000004B  }
0xb4: {  	_ =	swait.ge [sflag:s29], $0x1  }
0xb5: {  	[sflag:s29] =	ssyncadd.s32 $0xFFFFFFFF  }
0xb6: {  	_ =	strace $0x9000004B  }
0xb7: {  	_ =	sfence  }
0xb8: {  	s30 =	sld [smem:$0x0];
	_ =	sdelay $0x2  }
0xb9: {  	s31 =	sshll.u32 s1, $0xD;
	s1 =	sshrl.u32 s1, $0x2  }
0xba: {  	s3 =	sand.u32 $0x4000, s31;
	s1 =	sadd.s32 s1, s30  }
0xbb: {  	s0 =	sor.u32 s3, s0;
	s1 =	sshll.u32 s1, $0x11  }
0xbc: {  	s0 =	sor.u32 s1, s0  }
0xbd: {  	s0 =	sadd.s32 $0x8F2B, s0  }
0xbe: {  	[sflag:s0] =	ssyncadd.remote.s32 $0x1  }
0xbf: {  	_ =	sfence.sel $0xFFFF  }
0xc0: {  	[dreg:$0x0] =	wrdreg $0xFFFFFFFF;
	(pc) =	sbr.abs _section_cstart, $3  }
0xc1: {  	[dreg:$0x1] =	wrdreg $0xFFFFFFFF  }
0xc2: {  	_ =	task.clear_ibuf [dreg:s7], $0x2FFFF;
	_ =	strace $0x9FFFFFFF  }
0xc3: {  	(tm) =	ssettm $0x7FFFFFFF  }
tec
execute0_lowered:
.L_overlay_start_1:
0x0: {  	(tag) =	ssettag $0x1  }
0x1: {  	s5 =	rddreg [dreg:$0x0]  }
0x2: {  	s6 =	rddreg [dreg:$0x1]  }
0x3: {  	s2 =	rddreg [dreg:$0x2]  }
0x4: {  	s0 =	rddreg [dreg:$0x3]  }
0x5: {  	s4 =	srdreg.scid;
	s3 =	simm.s32 $0x0;
	s1 =	stileid.u32  }
0x6: {  	s14 =	simm.s32 $0x50;
	s15 =	simm.s32 $0x8000;
	s16 =	simm.s32 $0x0  }
0x7: {  	s7 =	sand.u32 $0x1, s4;
	s8 =	sshll.u32 s1, $0xB;
	s9 =	smul.u32 $0x14000, s1  }
0x8: {  	[smem:$0x7FF] =	sst s3;
	s13 =	smul.u32 $0x50000, s1;
	s31 =	sshll.u32 s1, $0x6  }
0x9: {  	s4 =	sshll.u32 s7, $0xF;
	s10 =	smul.u32 $0x140000, s7;
	_ =	strace $0x8000004A  }
0xa: {  	s7 =	ssub.s32 $0x2, s7;
	s8 =	sor.u32 s8, s4;
	s4 =	sadd.s32 $0x11C00, s6  }
0xb: {  	s12 =	sshrl.u32 s7, $0x1;
	s29 =	sshrl.u32 s13, $0x2;
	s30 =	sshrl.u32 s9, $0x3  }
0xc: {  	s11 =	sadd.s32 s8, s6;
	s10 =	sadd.s32 s9, s10;
	s12 =	ssub.s32 s7, s12  }
0xd: {  	s5 =	sadd.s32 s5, s8;
	s13 =	sadd.s32 s29, s2;
	s7 =	sadd.s32 s4, s30  }
0xe: {  	s10 =	sshrl.u32 s10, $0x3;
	s9 =	smax.u32 s12, $0x1;
	s12 =	sor.u32 $0x1C01, s31  }
0xf: {  	s13 =	sshrl.u32 s13, $0x3;
	s10 =	sadd.s32 s10, s6;
	s6 =	sadd.s32 $0x1C00, s11  }
0x10: {  	s11 =	simm.s32 $0x4000;
	s8 =	sadd.s32 $0x39C00, s10;
	s10 =	simm.s32 $0x1  }
.LBB2_1:
0x11: {  	[tilespmem:s3], [sflag:$0x1] =	stream.linear.gather [hbm4b:s5+s3], $0x3E80, $0x38;
	[tilespmem:$0x1E800] =	vst v63  }
0x12: {  	_ =	swait.ge [sflag:s10], $0x3E80  }
0x13: {  	[sflag:s10] =	ssyncset.done $0x0  }
0x14: {  	[sflag:s10] =	ssyncadd.s32 $0xFFFFC180  }
0x15: {  	[tilespmem:s11], [sflag:$0x1] =	stream.linear.gather [hbm4b:s6+s3], $0x3E80, $0x38;
	[tilespmem:$0x1E800] =	vst v63  }
0x16: {  	_ =	swait.ge [sflag:s10], $0x3E80  }
0x17: {  	[sflag:s10] =	ssyncset.done $0x0  }
0x18: {  	[sflag:s10] =	ssyncadd.s32 $0xFFFFC180  }
0x19: {  	[spmem:s13], [sflag:s12] =	dma.local [hbm:s7], $0x2800  }
0x1a: {  	_ =	swait.ge [sflag:s10], $0x2800  }
0x1b: {  	[sflag:s10] =	ssyncset.done $0x0  }
0x1c: {  	[sflag:s10] =	ssyncadd.s32 $0xFFFFD800  }
0x1d: {  	s17 =	simm.s32 $0x0;
	[bflag:$0x0] =	sbarrier.arrive $0xFFFF  }
0x1e: {  	[tilespmem:s15], [sflag:$0x1] =	stream.indirect.gather [hbm4b:s4+s14], $0x80, s17, s14, $0xb8;
	[tilespmem:$0x1E800] =	vst v63  }
0x1f: {  	_ =	swait.ge [sflag:s10], $0x2800  }
0x20: {  	[sflag:s10] =	ssyncset.done $0x0  }
0x21: {  	s31 =	simm.s32 $0x4000;
	[sflag:s10] =	ssyncadd.s32 $0xFFFFD800  }
0x22: {  	[spmem:s2] =	stream.indirect.scatter.add.f32 [tilespmem:s15], [sflag:$0x1], $0x80, s31, s14, $0xb8;
	[tilespmem:$0x1E800] =	vst v63  }
0x23: {  	_ =	swait.ge [sflag:s10], $0x2800  }
0x24: {  	s18 =	simm.s32 $0x400;
	s17 =	simm.s32 $0x200;
	[sflag:s10] =	ssyncset.done $0x0  }
.LBB2_2:
0x25: {  	s19 =	sshra.s32 s17, $0x2  }
0x26: {  	[sflag:s10] =	ssyncadd.s32 $0xFFFFD800;
	s17 =	smov.u32 s18;
	s20 =	sadd.s32 $0x200, s18  }
0x27: {  	[tilespmem:s15], [sflag:$0x1] =	stream.indirect.gather [hbm4b:s4+s14], $0x80, s19, s14, $0xb8;
	[tilespmem:$0x1E800] =	vst v63  }
0x28: {  	p0 =	sne.s32 s18, $0xF800;
	_ =	swait.ge [sflag:s10], $0x2800  }
.Ltmp0:
0x29: {  	[sflag:s10] =	ssyncset.done $0x0;
	(pc) =	sbr.rel @p0 .LBB2_2-.Ltmp0, $4  }
0x2a: {  	s18 =	sadd.s32 $0x4000, s19;
	[sflag:s10] =	ssyncadd.s32 $0xFFFFD800  }
0x2b: {  	[spmem:s2] =	stream.indirect.scatter.add.f32 [tilespmem:s15], [sflag:$0x1], $0x80, s18, s14, $0xb8;
	[tilespmem:$0x1E800] =	vst v63  }
0x2c: {  	_ =	swait.ge [sflag:s10], $0x2800  }
0x2d: {  	s18 =	smov.u32 s20;
	[sflag:s10] =	ssyncset.done $0x0  }
0x2e: {  	s17 =	sshra.s32 s17, $0x2;
	[sflag:s10] =	ssyncadd.s32 $0xFFFFD800  }
0x2f: {  	[tilespmem:s15], [sflag:$0x1] =	stream.indirect.gather [hbm4b:s4+s14], $0x80, s17, s14, $0xb8;
	[tilespmem:$0x1E800] =	vst v63  }
0x30: {  	_ =	swait.ge [sflag:s10], $0x2800  }
0x31: {  	[sflag:s10] =	ssyncset.done $0x0  }
0x32: {  	s17 =	sadd.s32 $0x4000, s17;
	[sflag:s10] =	ssyncadd.s32 $0xFFFFD800  }
0x33: {  	[spmem:s2] =	stream.indirect.scatter.add.f32 [tilespmem:s15], [sflag:$0x1], $0x80, s17, s14, $0xb8;
	[tilespmem:$0x1E800] =	vst v63  }
0x34: {  	_ =	swait.ge [sflag:s10], $0x2800  }
0x35: {  	s16 =	sadd.s32 $0x1, s16;
	[sflag:s10] =	ssyncset.done $0x0  }
0x36: {  	p0 =	sne.s32 s16, s9;
	[sflag:s10] =	ssyncadd.s32 $0xFFFFD800  }
.Ltmp1:
0x37: {  	[bflag:$0x0] =	sbarrier.arrive $0xFFFF;
	(pc) =	sbr.rel @p0 .LBB2_1-.Ltmp1, $4  }
0x38: {  	[hbm:s8], [sflag:s12] =	dma.local [spmem:s13], $0x2800  }
0x39: {  	_ =	swait.ge [sflag:s10], $0x2800  }
0x3a: {  	[sflag:s10] =	ssyncset.done $0x0  }
0x3b: {  	[sflag:s10] =	ssyncadd.s32 $0xFFFFD800  }
0x3c: {  	_ =	sfence.sel $0x180000  }
0x3d: {  	[bflag:$0x0] =	sbarrier.arrive $0xFFFF  }
0x3e: {  	p0 =	sne.s32 s1, $0x0;
	_ =	strace $0x9000004A  }
0x3f: {  	s0 =	sadd.s32 @!p0 $0x100000, s0;
	[bflag:$0x2] =	sbarrier.arrive $0xFFFF  }
0x40: {  	[sflag:s0] =	ssyncadd.tile.s32 @!p0 $0x1;
	_ =	shalt  }
.Lfunc_end2:
_tile_overlayer_lowered:
.L_overlay_start_2:
0x41: {  	(tag) =	ssettag $0x2  }
0x42: {  	s0 =	rddreg [dreg:$0x0];
	s2 =	stileid.u32  }
0x43: {  	s1 =	rddreg [dreg:$0x1];
	p0 =	sne.s32 s2, $0x0  }
0x44: {  	s3 =	rddreg [dreg:$0x2];
	[bflag:$0x3] =	sbarrier.arrive $0xFFFF;
	s2 =	simm.s32 @!p0 $0x1C01  }
0x45: {  	[timem:s3], [sflag:s2] =	dma.local @!p0 [hbm:s0], s1  }
0x46: {  	s0 =	simm.s32 @!p0 $0x1  }
0x47: {  	_ =	swait.ge @!p0 [sflag:s0], s1  }
0x48: {  	s1 =	ssub.s32 @!p0 $0x0, s1;
	[sflag:s0] =	ssyncset.done @!p0 $0x0  }
0x49: {  	[sflag:s0] =	ssyncadd.s32 @!p0 s1  }
0x4a: {  	[bflag:$0x3] =	sbarrier.arrive $0xFFFF  }
0x4b: {  	_ =	shalt  }

// kernel: kernel.14.cloned.1.call-start
scs
__scs_entry_jumppad:
0x0: {  	(pc) =	sbr.rel $0x88, $3  }
0x1: {  	(tag) =	ssettag $0x0;
	lr =	simm.s32 $0x1  }
0x2: {  	[smem:$0x3F9B] =	sst lr;
	_ =	strace $0xD0000000  }
0x3: {  	_ = 	snop  }
0x4: {  	_ = 	snop  }
0x5: {  	_ = 	snop  }
0x6: {  	_ = 	snop  }
0x7: {  	_ = 	snop  }
__scs_overlays_trampoline_lowered:
0x8: {  	[smem:$0x3FAA] =	sst s0  }
0x9: {  	[smem:$0x3FAB] =	sst s1  }
0xa: {  	[smem:$0x3FAC] =	sst s2  }
0xb: {  	[smem:$0x3FAD] =	sst s3  }
0xc: {  	[smem:$0x3FAE] =	sst s4  }
0xd: {  	[smem:$0x3FAF] =	sst s5  }
0xe: {  	[smem:$0x3FB0] =	sst s6  }
0xf: {  	[smem:$0x3FB1] =	sst s7  }
0x10: {  	[smem:$0x3FB2] =	sst s8  }
0x11: {  	[smem:$0x3FB3] =	sst s9;
	s0 =	simm.s32 @!p0 $0x0  }
0x12: {  	s1 =	sld [smem:$0x3F99];
	s0 =	simm.s32 @p0 $0x1  }
0x13: {  	[smem:$0x3FB4] =	sst s0;
	s0 =	simm.s32 @!p1 $0x0  }
0x14: {  	s2 =	sld [smem:$0x3F98];
	s0 =	simm.s32 @p1 $0x1  }
0x15: {  	[smem:$0x3FB5] =	sst s0;
	s0 =	simm.s32 @!p2 $0x0  }
0x16: {  	s3 =	sld [smem:$0x3FDB];
	s0 =	simm.s32 @p2 $0x1  }
0x17: {  	s4 =	simm.s32 $0x1BF5;
	[smem:$0x3FB7] =	sst s0  }
0x18: {  	s0 =	sld [smem:$0x3F9A];
	_ =	swait.ge [sflag:s4], $0x0  }
0x19: {  	s7 =	sld [smem:$0x3F9B]  }
0x1a: {  	s8 =	sadd.s32 $0xFFFFE003, lr  }
0x1b: {  	s9 =	sadd.s32 $0xFFFFFEF7, lr;
	s5 =	simm.s32 $0xFFFFFFFF;
	p2 =	slt.u32 s8, $0xFFFFF086  }
0x1c: {  	p1 =	slt.u32 s9, $0xF7A;
	s5 =	simm.s32 @!p2 $0x0  }
0x1d: {  	s5 =	simm.s32 @p1 $0x1;
	p0 =	seq.s32 s7, s2  }
0x1e: {  	s7 =	smul.u32 @!p0 $0xF7A, s2;
	p2 =	seq.s32 @!p0 s5, $0x0  }
0x1f: {  	s9 =	smul.u32 $0xF7A, s1;
	s8 =	simm.s32 @!p0 $0x1BF5;
	p2 =	por !p2, p0  }
0x20: {  	[sflag:s8] =	ssyncset.s32 @!p0 $0xFFFFF086;
	s6 =	sadd.s32 @!p0 s3, s7;
	s7 =	simm.s32 @!p0 $0x108  }
0x21: {  	s3 =	sadd.s32 s3, s9;
	s6 =	sadd.s32 @!p0 $0x88, s6;
	s7 =	simm.s32 @p2 $0x1082  }
0x22: {  	[simem:s7], [sflag:s8] =	dma.local @!p0 [hbm:s6], $0xF7A  }
0x23: {  	s9 =	sor.u32 $0xD0000000, s2;
	s6 =	simm.s32 $0x108;
	_ =	swait.ge @!p0 [sflag:s8], $0x0  }
0x24: {  	s3 =	sadd.s32 $0x88, s3;
	s6 =	simm.s32 @!p1 $0x1082;
	[sflag:s4] =	ssyncset.s32 $0xFFFFF086  }
0x25: {  	[simem:s6], [sflag:s4] =	dma.local [hbm:s3], $0xF7A  }
0x26: {  	[smem:$0x3F9B] =	sst s1;
	(tag) =	ssettag s2;
	_ =	strace s9  }
0x27: {  	s1 =	sld [smem:$0x3FAB]  }
0x28: {  	s2 =	sld [smem:$0x3FAC]  }
0x29: {  	s4 =	sld [smem:$0x3FAE]  }
0x2a: {  	p0 =	seq.s32 s5, $0x0;
	s5 =	sld [smem:$0x3FAF]  }
0x2b: {  	s6 =	sld [smem:$0x3FB0]  }
0x2c: {  	s7 =	sld [smem:$0x3FB1]  }
0x2d: {  	s3 =	simm.s32 $0x108;
	s8 =	sld [smem:$0x3FB2]  }
0x2e: {  	s3 =	simm.s32 @!p0 $0x1082;
	s9 =	sld [smem:$0x3FB3]  }
0x2f: {  	lr =	sadd.s32 s0, s3;
	s0 =	sld [smem:$0x3FAA]  }
0x30: {  	s3 =	sld [smem:$0x3FAD]  }
0x31: {  	[smem:$0x3FB6] =	sst s10  }
0x32: {  	s10 =	sld [smem:$0x3FB4];
	_ =	sdelay $0x3  }
0x33: {  	p0 =	seq.s32 s10, $0x1;
	s10 =	sld [smem:$0x3FB6];
	_ =	sdelay $0x3  }
0x34: {  	[smem:$0x3FB6] =	sst s10  }
0x35: {  	s10 =	sld [smem:$0x3FB5];
	_ =	sdelay $0x3  }
0x36: {  	p1 =	seq.s32 s10, $0x1;
	s10 =	sld [smem:$0x3FB6];
	_ =	sdelay $0x3  }
0x37: {  	[smem:$0x3FB6] =	sst s10  }
0x38: {  	s10 =	sld [smem:$0x3FB7]  }
0x39: {  	_ = 	snop;
	(pc) =	sbr.ind lr, $3  }
0x3a: {  	_ = 	snop  }
0x3b: {  	_ = 	snop  }
0x3c: {  	p2 =	seq.s32 s10, $0x1;
	s10 =	sld [smem:$0x3FB6]  }
0x3d: {  	_ =	shalt  }
0x3e: {  	_ =	shalt  }
0x3f: {  	_ =	shalt  }
0x40: {  	_ =	shalt  }
0x41: {  	_ =	shalt  }
0x42: {  	_ =	shalt  }
0x43: {  	_ =	shalt  }
0x44: {  	_ =	shalt  }
0x45: {  	_ =	shalt  }
0x46: {  	_ =	shalt  }
0x47: {  	_ =	shalt  }
0x48: {  	_ =	shalt  }
0x49: {  	_ =	shalt  }
0x4a: {  	_ =	shalt  }
0x4b: {  	_ =	shalt  }
0x4c: {  	_ =	shalt  }
0x4d: {  	_ =	shalt  }
0x4e: {  	_ =	shalt  }
0x4f: {  	_ =	shalt  }
0x50: {  	_ =	shalt  }
0x51: {  	_ =	shalt  }
0x52: {  	_ =	shalt  }
0x53: {  	_ =	shalt  }
0x54: {  	_ =	shalt  }
0x55: {  	_ =	shalt  }
0x56: {  	_ =	shalt  }
0x57: {  	_ =	shalt  }
0x58: {  	_ =	shalt  }
0x59: {  	_ =	shalt  }
0x5a: {  	_ =	shalt  }
0x5b: {  	_ =	shalt  }
0x5c: {  	_ =	shalt  }
0x5d: {  	_ =	shalt  }
0x5e: {  	_ =	shalt  }
0x5f: {  	_ =	shalt  }
0x60: {  	_ =	shalt  }
0x61: {  	_ =	shalt  }
0x62: {  	_ =	shalt  }
0x63: {  	_ =	shalt  }
0x64: {  	_ =	shalt  }
0x65: {  	_ =	shalt  }
0x66: {  	_ =	shalt  }
0x67: {  	_ =	shalt  }
0x68: {  	_ =	shalt  }
0x69: {  	_ =	shalt  }
0x6a: {  	_ =	shalt  }
0x6b: {  	_ =	shalt  }
0x6c: {  	_ =	shalt  }
0x6d: {  	_ =	shalt  }
0x6e: {  	_ =	shalt  }
0x6f: {  	_ =	shalt  }
0x70: {  	_ =	shalt  }
0x71: {  	_ =	shalt  }
0x72: {  	_ =	shalt  }
0x73: {  	_ =	shalt  }
0x74: {  	_ =	shalt  }
0x75: {  	_ =	shalt  }
0x76: {  	_ =	shalt  }
0x77: {  	_ =	shalt  }
0x78: {  	_ =	shalt  }
0x79: {  	_ =	shalt  }
0x7a: {  	_ =	shalt  }
0x7b: {  	_ =	shalt  }
0x7c: {  	_ =	shalt  }
0x7d: {  	_ =	shalt  }
0x7e: {  	_ =	shalt  }
0x7f: {  	_ =	shalt  }
0x80: {  	_ =	shalt  }
0x81: {  	_ =	shalt  }
0x82: {  	_ =	shalt  }
0x83: {  	_ =	shalt  }
0x84: {  	_ =	shalt  }
0x85: {  	_ =	shalt  }
0x86: {  	_ =	shalt  }
0x87: {  	_ =	shalt  }
.Lfunc_end0:
.L_simem_size_0:
called_computation.2_lowered:
.L_overlay_start_0:
0x88: {  	s2 =	sld [smem:$0x3FD9]  }
0x89: {  	s3 =	sld [smem:$0x3FFE];
	_ =	sdelay $0x1  }
0x8a: {  	s1 =	srdreg.scid  }
0x8b: {  	s0 =	sand.u32 $0x1, s1  }
0x8c: {  	s17 =	sshll.u32 s0, $0xA;
	s2 =	sadd.s32 s3, s2  }
0x8d: {  	s2 =	sadd.s32 s2, s17  }
0x8e: {  	[smem:$0x3FC2] =	sst s2  }
0x8f: {  	_ = 	snop  }
0x90: {  	s2 =	sld [smem:$0x3FD0];
	(tm) =	ssettm $0x1  }
0x91: {  	s18 =	sld [smem:$0x3FFB];
	_ =	sdelay $0x3  }
0x92: {  	_ =	strace s18  }
0x93: {  	s3 =	sld [smem:$0x3FFC];
	_ =	sdelay $0x3  }
0x94: {  	_ =	strace s3  }
0x95: {  	s3 =	sld [smem:$0x3FFD];
	_ =	sdelay $0x3  }
0x96: {  	_ =	strace s3  }
0x97: {  	_ =	strace $0x8FFFFFFF  }
0x98: {  	s19 =	sld [smem:$0x3FDB];
	_ =	sdelay $0x1  }
0x99: {  	s4 =	simm.s32 $_scs_section_size  }
0x9a: {  	s5 =	simm.s32 $_size__tile_overlayer_lowered;
	s6 =	simm.s32 $_tile_overlayer_lowered  }
0x9b: {  	s22 =	simm.s32 $0x1BFF;
	s21 =	sshll.u32 s6, $0x1;
	s3 =	sadd.s32 s4, s19  }
0x9c: {  	s7 =	simm.s32 $0x0;
	s20 =	sshll.u32 s5, $0x1;
	s5 =	sadd.s32 s21, s3  }
0x9d: {  	[timem:s7], [sflag:s22] =	dma.local [hbm:s5], s20  }
0x9e: {  	_ =	swait.ge [sflag:s22], s20  }
0x9f: {  	s4 =	ssub.s32 $0x0, s20;
	[sflag:s22] =	ssyncset.done $0x0  }
0xa0: {  	[sflag:s22] =	ssyncadd.s32 s4;
	_ =	sdelay $0x1  }
0xa1: {  	s23 =	simm.s32 $0x1B8B  }
0xa2: {  	_ =	swait.ge [sflag:s23], $0x1  }
0xa3: {  	[sflag:s23] =	ssyncset.done $0x0  }
0xa4: {  	s25 =	simm.s32 $0x1B8E;
	s24 =	sld [smem:$0x3FFE];
	[sflag:s23] =	ssyncadd.s32 $0xFFFFFFFF  }
0xa5: {  	s26 =	simm.s32 $execute0_lowered;
	[smem:$0x3FD2] =	sst s25  }
0xa6: {  	s5 =	sshll.u32 s26, $0x1;
	_ =	strace $0x8000004C;
	[dreg:$0x1] =	wrdreg $0xFFFFFFFF  }
0xa7: {  	s28 =	simm.s32 $_size_execute0_lowered;
	s3 =	sadd.s32 s3, s5;
	[dreg:$0x0] =	wrdreg $0x0  }
0xa8: {  	s5 =	sshll.u32 s28, $0x1;
	[dreg:$0x2] =	wrdreg s3  }
0xa9: {  	[dreg:$0x3] =	wrdreg s5  }
0xaa: {  	[dreg:$0x4] =	wrdreg $0xC0  }
0xab: {  	_ =	task [dreg:s7], $0x5FFFF  }
0xac: {  	[dreg:$0x1] =	wrdreg $0xFFFFFFFF  }
0xad: {  	[dreg:$0x0] =	wrdreg $0x60  }
0xae: {  	[dreg:$0x2] =	wrdreg s2  }
0xaf: {  	[dreg:$0x3] =	wrdreg s24  }
0xb0: {  	[dreg:$0x4] =	wrdreg $0xA8000  }
0xb1: {  	[dreg:$0x5] =	wrdreg $0x9  }
0xb2: {  	_ =	task.clear_ibuf [dreg:s7], $0x6FFFF;
	_ =	strace $0x9000004C  }
0xb3: {  	s29 =	simm.s32 $0x9;
	_ =	strace $0x8000004E  }
0xb4: {  	_ =	swait.ge [sflag:s29], $0x1  }
0xb5: {  	[sflag:s29] =	ssyncadd.s32 $0xFFFFFFFF  }
0xb6: {  	_ =	strace $0x9000004E  }
0xb7: {  	_ =	sfence  }
0xb8: {  	s30 =	sld [smem:$0x0];
	_ =	sdelay $0x2  }
0xb9: {  	s31 =	sshll.u32 s1, $0xD;
	s1 =	sshrl.u32 s1, $0x2  }
0xba: {  	s3 =	sand.u32 $0x4000, s31;
	s1 =	sadd.s32 s1, s30  }
0xbb: {  	s0 =	sor.u32 s3, s0;
	s1 =	sshll.u32 s1, $0x11  }
0xbc: {  	s0 =	sor.u32 s1, s0  }
0xbd: {  	s0 =	sadd.s32 $0x8F2B, s0  }
0xbe: {  	[sflag:s0] =	ssyncadd.remote.s32 $0x1  }
0xbf: {  	_ =	sfence.sel $0xFFFF  }
0xc0: {  	[dreg:$0x0] =	wrdreg $0xFFFFFFFF;
	(pc) =	sbr.abs _section_cstart, $3  }
0xc1: {  	[dreg:$0x1] =	wrdreg $0xFFFFFFFF  }
0xc2: {  	_ =	task.clear_ibuf [dreg:s7], $0x2FFFF;
	_ =	strace $0x9FFFFFFF  }
0xc3: {  	(tm) =	ssettm $0x7FFFFFFF  }
tec
execute0_lowered:
.L_overlay_start_1:
0x0: {  	(tag) =	ssettag $0x1  }
0x1: {  	s5 =	rddreg [dreg:$0x0]  }
0x2: {  	s6 =	rddreg [dreg:$0x1]  }
0x3: {  	s2 =	rddreg [dreg:$0x2]  }
0x4: {  	s0 =	rddreg [dreg:$0x3]  }
0x5: {  	s4 =	srdreg.scid;
	s3 =	simm.s32 $0x0;
	s1 =	stileid.u32  }
0x6: {  	s14 =	simm.s32 $0x50;
	s15 =	simm.s32 $0x8000;
	s16 =	simm.s32 $0x0  }
0x7: {  	s7 =	sand.u32 $0x1, s4;
	s8 =	sshll.u32 s1, $0xB;
	s9 =	smul.u32 $0x14000, s1  }
0x8: {  	[smem:$0x7FF] =	sst s3;
	s13 =	smul.u32 $0x50000, s1;
	s31 =	sshll.u32 s1, $0x6  }
0x9: {  	s4 =	sshll.u32 s7, $0xF;
	s10 =	smul.u32 $0x140000, s7;
	_ =	strace $0x8000004D  }
0xa: {  	s7 =	ssub.s32 $0x2, s7;
	s8 =	sor.u32 s8, s4;
	s4 =	sadd.s32 $0x11C00, s6  }
0xb: {  	s12 =	sshrl.u32 s7, $0x1;
	s29 =	sshrl.u32 s13, $0x2;
	s30 =	sshrl.u32 s9, $0x3  }
0xc: {  	s11 =	sadd.s32 s8, s6;
	s10 =	sadd.s32 s9, s10;
	s12 =	ssub.s32 s7, s12  }
0xd: {  	s5 =	sadd.s32 s5, s8;
	s13 =	sadd.s32 s29, s2;
	s7 =	sadd.s32 s4, s30  }
0xe: {  	s10 =	sshrl.u32 s10, $0x3;
	s9 =	smax.u32 s12, $0x1;
	s12 =	sor.u32 $0x1C01, s31  }
0xf: {  	s13 =	sshrl.u32 s13, $0x3;
	s10 =	sadd.s32 s10, s6;
	s6 =	sadd.s32 $0x1C00, s11  }
0x10: {  	s11 =	simm.s32 $0x4000;
	s8 =	sadd.s32 $0x39C00, s10;
	s10 =	simm.s32 $0x1  }
.LBB2_1:
0x11: {  	[tilespmem:s3], [sflag:$0x1] =	stream.linear.gather [hbm4b:s5+s3], $0x3E80, $0x38;
	[tilespmem:$0x1E800] =	vst v63  }
0x12: {  	_ =	swait.ge [sflag:s10], $0x3E80  }
0x13: {  	[sflag:s10] =	ssyncset.done $0x0  }
0x14: {  	[sflag:s10] =	ssyncadd.s32 $0xFFFFC180  }
0x15: {  	[tilespmem:s11], [sflag:$0x1] =	stream.linear.gather [hbm4b:s6+s3], $0x3E80, $0x38;
	[tilespmem:$0x1E800] =	vst v63  }
0x16: {  	_ =	swait.ge [sflag:s10], $0x3E80  }
0x17: {  	[sflag:s10] =	ssyncset.done $0x0  }
0x18: {  	[sflag:s10] =	ssyncadd.s32 $0xFFFFC180  }
0x19: {  	[spmem:s13], [sflag:s12] =	dma.local [hbm:s7], $0x2800  }
0x1a: {  	_ =	swait.ge [sflag:s10], $0x2800  }
0x1b: {  	[sflag:s10] =	ssyncset.done $0x0  }
0x1c: {  	[sflag:s10] =	ssyncadd.s32 $0xFFFFD800  }
0x1d: {  	s17 =	simm.s32 $0x0;
	[bflag:$0x0] =	sbarrier.arrive $0xFFFF  }
0x1e: {  	[tilespmem:s15], [sflag:$0x1] =	stream.indirect.gather [hbm4b:s4+s14], $0x80, s17, s14, $0xb8;
	[tilespmem:$0x1E800] =	vst v63  }
0x1f: {  	_ =	swait.ge [sflag:s10], $0x2800  }
0x20: {  	[sflag:s10] =	ssyncset.done $0x0  }
0x21: {  	s31 =	simm.s32 $0x4000;
	[sflag:s10] =	ssyncadd.s32 $0xFFFFD800  }
0x22: {  	[spmem:s2] =	stream.indirect.scatter.add.f32 [tilespmem:s15], [sflag:$0x1], $0x80, s31, s14, $0xb8;
	[tilespmem:$0x1E800] =	vst v63  }
0x23: {  	_ =	swait.ge [sflag:s10], $0x2800  }
0x24: {  	s18 =	simm.s32 $0x400;
	s17 =	simm.s32 $0x200;
	[sflag:s10] =	ssyncset.done $0x0  }
.LBB2_2:
0x25: {  	s19 =	sshra.s32 s17, $0x2  }
0x26: {  	[sflag:s10] =	ssyncadd.s32 $0xFFFFD800;
	s17 =	smov.u32 s18;
	s20 =	sadd.s32 $0x200, s18  }
0x27: {  	[tilespmem:s15], [sflag:$0x1] =	stream.indirect.gather [hbm4b:s4+s14], $0x80, s19, s14, $0xb8;
	[tilespmem:$0x1E800] =	vst v63  }
0x28: {  	p0 =	sne.s32 s18, $0xF800;
	_ =	swait.ge [sflag:s10], $0x2800  }
.Ltmp0:
0x29: {  	[sflag:s10] =	ssyncset.done $0x0;
	(pc) =	sbr.rel @p0 .LBB2_2-.Ltmp0, $4  }
0x2a: {  	s18 =	sadd.s32 $0x4000, s19;
	[sflag:s10] =	ssyncadd.s32 $0xFFFFD800  }
0x2b: {  	[spmem:s2] =	stream.indirect.scatter.add.f32 [tilespmem:s15], [sflag:$0x1], $0x80, s18, s14, $0xb8;
	[tilespmem:$0x1E800] =	vst v63  }
0x2c: {  	_ =	swait.ge [sflag:s10], $0x2800  }
0x2d: {  	s18 =	smov.u32 s20;
	[sflag:s10] =	ssyncset.done $0x0  }
0x2e: {  	s17 =	sshra.s32 s17, $0x2;
	[sflag:s10] =	ssyncadd.s32 $0xFFFFD800  }
0x2f: {  	[tilespmem:s15], [sflag:$0x1] =	stream.indirect.gather [hbm4b:s4+s14], $0x80, s17, s14, $0xb8;
	[tilespmem:$0x1E800] =	vst v63  }
0x30: {  	_ =	swait.ge [sflag:s10], $0x2800  }
0x31: {  	[sflag:s10] =	ssyncset.done $0x0  }
0x32: {  	s17 =	sadd.s32 $0x4000, s17;
	[sflag:s10] =	ssyncadd.s32 $0xFFFFD800  }
0x33: {  	[spmem:s2] =	stream.indirect.scatter.add.f32 [tilespmem:s15], [sflag:$0x1], $0x80, s17, s14, $0xb8;
	[tilespmem:$0x1E800] =	vst v63  }
0x34: {  	_ =	swait.ge [sflag:s10], $0x2800  }
0x35: {  	s16 =	sadd.s32 $0x1, s16;
	[sflag:s10] =	ssyncset.done $0x0  }
0x36: {  	p0 =	sne.s32 s16, s9;
	[sflag:s10] =	ssyncadd.s32 $0xFFFFD800  }
.Ltmp1:
0x37: {  	[bflag:$0x0] =	sbarrier.arrive $0xFFFF;
	(pc) =	sbr.rel @p0 .LBB2_1-.Ltmp1, $4  }
0x38: {  	[hbm:s8], [sflag:s12] =	dma.local [spmem:s13], $0x2800  }
0x39: {  	_ =	swait.ge [sflag:s10], $0x2800  }
0x3a: {  	[sflag:s10] =	ssyncset.done $0x0  }
0x3b: {  	[sflag:s10] =	ssyncadd.s32 $0xFFFFD800  }
0x3c: {  	_ =	sfence.sel $0x180000  }
0x3d: {  	[bflag:$0x0] =	sbarrier.arrive $0xFFFF  }
0x3e: {  	p0 =	sne.s32 s1, $0x0;
	_ =	strace $0x9000004D  }
0x3f: {  	s0 =	sadd.s32 @!p0 $0x100000, s0;
	[bflag:$0x2] =	sbarrier.arrive $0xFFFF  }
0x40: {  	[sflag:s0] =	ssyncadd.tile.s32 @!p0 $0x1;
	_ =	shalt  }
.Lfunc_end2:
_tile_overlayer_lowered:
.L_overlay_start_2:
0x41: {  	(tag) =	ssettag $0x2  }
0x42: {  	s0 =	rddreg [dreg:$0x0];
	s2 =	stileid.u32  }
0x43: {  	s1 =	rddreg [dreg:$0x1];
	p0 =	sne.s32 s2, $0x0  }
0x44: {  	s3 =	rddreg [dreg:$0x2];
	[bflag:$0x3] =	sbarrier.arrive $0xFFFF;
	s2 =	simm.s32 @!p0 $0x1C01  }
0x45: {  	[timem:s3], [sflag:s2] =	dma.local @!p0 [hbm:s0], s1  }
0x46: {  	s0 =	simm.s32 @!p0 $0x1  }
0x47: {  	_ =	swait.ge @!p0 [sflag:s0], s1  }
0x48: {  	s1 =	ssub.s32 @!p0 $0x0, s1;
	[sflag:s0] =	ssyncset.done @!p0 $0x0  }
0x49: {  	[sflag:s0] =	ssyncadd.s32 @!p0 s1  }
0x4a: {  	[bflag:$0x3] =	sbarrier.arrive $0xFFFF  }
0x4b: {  	_ =	shalt  }

// kernel: kernel.8.cloned.1.call-start
scs
__scs_entry_jumppad:
0x0: {  	(pc) =	sbr.rel $0x88, $3  }
0x1: {  	(tag) =	ssettag $0x0;
	lr =	simm.s32 $0x1  }
0x2: {  	[smem:$0x3F9B] =	sst lr;
	_ =	strace $0xD0000000  }
0x3: {  	_ = 	snop  }
0x4: {  	_ = 	snop  }
0x5: {  	_ = 	snop  }
0x6: {  	_ = 	snop  }
0x7: {  	_ = 	snop  }
__scs_overlays_trampoline_lowered:
0x8: {  	[smem:$0x3FAA] =	sst s0  }
0x9: {  	[smem:$0x3FAB] =	sst s1  }
0xa: {  	[smem:$0x3FAC] =	sst s2  }
0xb: {  	[smem:$0x3FAD] =	sst s3  }
0xc: {  	[smem:$0x3FAE] =	sst s4  }
0xd: {  	[smem:$0x3FAF] =	sst s5  }
0xe: {  	[smem:$0x3FB0] =	sst s6  }
0xf: {  	[smem:$0x3FB1] =	sst s7  }
0x10: {  	[smem:$0x3FB2] =	sst s8  }
0x11: {  	[smem:$0x3FB3] =	sst s9;
	s0 =	simm.s32 @!p0 $0x0  }
0x12: {  	s1 =	sld [smem:$0x3F99];
	s0 =	simm.s32 @p0 $0x1  }
0x13: {  	[smem:$0x3FB4] =	sst s0;
	s0 =	simm.s32 @!p1 $0x0  }
0x14: {  	s2 =	sld [smem:$0x3F98];
	s0 =	simm.s32 @p1 $0x1  }
0x15: {  	[smem:$0x3FB5] =	sst s0;
	s0 =	simm.s32 @!p2 $0x0  }
0x16: {  	s3 =	sld [smem:$0x3FDB];
	s0 =	simm.s32 @p2 $0x1  }
0x17: {  	s4 =	simm.s32 $0x1BF5;
	[smem:$0x3FB7] =	sst s0  }
0x18: {  	s0 =	sld [smem:$0x3F9A];
	_ =	swait.ge [sflag:s4], $0x0  }
0x19: {  	s7 =	sld [smem:$0x3F9B]  }
0x1a: {  	s8 =	sadd.s32 $0xFFFFE003, lr  }
0x1b: {  	s9 =	sadd.s32 $0xFFFFFEF7, lr;
	s5 =	simm.s32 $0xFFFFFFFF;
	p2 =	slt.u32 s8, $0xFFFFF086  }
0x1c: {  	p1 =	slt.u32 s9, $0xF7A;
	s5 =	simm.s32 @!p2 $0x0  }
0x1d: {  	s5 =	simm.s32 @p1 $0x1;
	p0 =	seq.s32 s7, s2  }
0x1e: {  	s7 =	smul.u32 @!p0 $0xF7A, s2;
	p2 =	seq.s32 @!p0 s5, $0x0  }
0x1f: {  	s9 =	smul.u32 $0xF7A, s1;
	s8 =	simm.s32 @!p0 $0x1BF5;
	p2 =	por !p2, p0  }
0x20: {  	[sflag:s8] =	ssyncset.s32 @!p0 $0xFFFFF086;
	s6 =	sadd.s32 @!p0 s3, s7;
	s7 =	simm.s32 @!p0 $0x108  }
0x21: {  	s3 =	sadd.s32 s3, s9;
	s6 =	sadd.s32 @!p0 $0x88, s6;
	s7 =	simm.s32 @p2 $0x1082  }
0x22: {  	[simem:s7], [sflag:s8] =	dma.local @!p0 [hbm:s6], $0xF7A  }
0x23: {  	s9 =	sor.u32 $0xD0000000, s2;
	s6 =	simm.s32 $0x108;
	_ =	swait.ge @!p0 [sflag:s8], $0x0  }
0x24: {  	s3 =	sadd.s32 $0x88, s3;
	s6 =	simm.s32 @!p1 $0x1082;
	[sflag:s4] =	ssyncset.s32 $0xFFFFF086  }
0x25: {  	[simem:s6], [sflag:s4] =	dma.local [hbm:s3], $0xF7A  }
0x26: {  	[smem:$0x3F9B] =	sst s1;
	(tag) =	ssettag s2;
	_ =	strace s9  }
0x27: {  	s1 =	sld [smem:$0x3FAB]  }
0x28: {  	s2 =	sld [smem:$0x3FAC]  }
0x29: {  	s4 =	sld [smem:$0x3FAE]  }
0x2a: {  	p0 =	seq.s32 s5, $0x0;
	s5 =	sld [smem:$0x3FAF]  }
0x2b: {  	s6 =	sld [smem:$0x3FB0]  }
0x2c: {  	s7 =	sld [smem:$0x3FB1]  }
0x2d: {  	s3 =	simm.s32 $0x108;
	s8 =	sld [smem:$0x3FB2]  }
0x2e: {  	s3 =	simm.s32 @!p0 $0x1082;
	s9 =	sld [smem:$0x3FB3]  }
0x2f: {  	lr =	sadd.s32 s0, s3;
	s0 =	sld [smem:$0x3FAA]  }
0x30: {  	s3 =	sld [smem:$0x3FAD]  }
0x31: {  	[smem:$0x3FB6] =	sst s10  }
0x32: {  	s10 =	sld [smem:$0x3FB4];
	_ =	sdelay $0x3  }
0x33: {  	p0 =	seq.s32 s10, $0x1;
	s10 =	sld [smem:$0x3FB6];
	_ =	sdelay $0x3  }
0x34: {  	[smem:$0x3FB6] =	sst s10  }
0x35: {  	s10 =	sld [smem:$0x3FB5];
	_ =	sdelay $0x3  }
0x36: {  	p1 =	seq.s32 s10, $0x1;
	s10 =	sld [smem:$0x3FB6];
	_ =	sdelay $0x3  }
0x37: {  	[smem:$0x3FB6] =	sst s10  }
0x38: {  	s10 =	sld [smem:$0x3FB7]  }
0x39: {  	_ = 	snop;
	(pc) =	sbr.ind lr, $3  }
0x3a: {  	_ = 	snop  }
0x3b: {  	_ = 	snop  }
0x3c: {  	p2 =	seq.s32 s10, $0x1;
	s10 =	sld [smem:$0x3FB6]  }
0x3d: {  	_ =	shalt  }
0x3e: {  	_ =	shalt  }
0x3f: {  	_ =	shalt  }
0x40: {  	_ =	shalt  }
0x41: {  	_ =	shalt  }
0x42: {  	_ =	shalt  }
0x43: {  	_ =	shalt  }
0x44: {  	_ =	shalt  }
0x45: {  	_ =	shalt  }
0x46: {  	_ =	shalt  }
0x47: {  	_ =	shalt  }
0x48: {  	_ =	shalt  }
0x49: {  	_ =	shalt  }
0x4a: {  	_ =	shalt  }
0x4b: {  	_ =	shalt  }
0x4c: {  	_ =	shalt  }
0x4d: {  	_ =	shalt  }
0x4e: {  	_ =	shalt  }
0x4f: {  	_ =	shalt  }
0x50: {  	_ =	shalt  }
0x51: {  	_ =	shalt  }
0x52: {  	_ =	shalt  }
0x53: {  	_ =	shalt  }
0x54: {  	_ =	shalt  }
0x55: {  	_ =	shalt  }
0x56: {  	_ =	shalt  }
0x57: {  	_ =	shalt  }
0x58: {  	_ =	shalt  }
0x59: {  	_ =	shalt  }
0x5a: {  	_ =	shalt  }
0x5b: {  	_ =	shalt  }
0x5c: {  	_ =	shalt  }
0x5d: {  	_ =	shalt  }
0x5e: {  	_ =	shalt  }
0x5f: {  	_ =	shalt  }
0x60: {  	_ =	shalt  }
0x61: {  	_ =	shalt  }
0x62: {  	_ =	shalt  }
0x63: {  	_ =	shalt  }
0x64: {  	_ =	shalt  }
0x65: {  	_ =	shalt  }
0x66: {  	_ =	shalt  }
0x67: {  	_ =	shalt  }
0x68: {  	_ =	shalt  }
0x69: {  	_ =	shalt  }
0x6a: {  	_ =	shalt  }
0x6b: {  	_ =	shalt  }
0x6c: {  	_ =	shalt  }
0x6d: {  	_ =	shalt  }
0x6e: {  	_ =	shalt  }
0x6f: {  	_ =	shalt  }
0x70: {  	_ =	shalt  }
0x71: {  	_ =	shalt  }
0x72: {  	_ =	shalt  }
0x73: {  	_ =	shalt  }
0x74: {  	_ =	shalt  }
0x75: {  	_ =	shalt  }
0x76: {  	_ =	shalt  }
0x77: {  	_ =	shalt  }
0x78: {  	_ =	shalt  }
0x79: {  	_ =	shalt  }
0x7a: {  	_ =	shalt  }
0x7b: {  	_ =	shalt  }
0x7c: {  	_ =	shalt  }
0x7d: {  	_ =	shalt  }
0x7e: {  	_ =	shalt  }
0x7f: {  	_ =	shalt  }
0x80: {  	_ =	shalt  }
0x81: {  	_ =	shalt  }
0x82: {  	_ =	shalt  }
0x83: {  	_ =	shalt  }
0x84: {  	_ =	shalt  }
0x85: {  	_ =	shalt  }
0x86: {  	_ =	shalt  }
0x87: {  	_ =	shalt  }
.Lfunc_end0:
.L_simem_size_0:
called_computation_lowered:
.L_overlay_start_0:
0x88: {  	s2 =	sld [smem:$0x3FD9]  }
0x89: {  	s3 =	sld [smem:$0x3FFE];
	_ =	sdelay $0x1  }
0x8a: {  	s1 =	srdreg.scid  }
0x8b: {  	s0 =	sand.u32 $0x1, s1  }
0x8c: {  	s16 =	sshll.u32 s0, $0xA;
	s2 =	sadd.s32 s3, s2  }
0x8d: {  	s2 =	sadd.s32 s2, s16  }
0x8e: {  	[smem:$0x3FC2] =	sst s2  }
0x8f: {  	_ = 	snop  }
0x90: {  	(tm) =	ssettm $0x1  }
0x91: {  	s17 =	sld [smem:$0x3FFB];
	_ =	sdelay $0x3  }
0x92: {  	_ =	strace s17  }
0x93: {  	s2 =	sld [smem:$0x3FFC];
	_ =	sdelay $0x3  }
0x94: {  	_ =	strace s2  }
0x95: {  	s2 =	sld [smem:$0x3FFD];
	_ =	sdelay $0x3  }
0x96: {  	_ =	strace s2  }
0x97: {  	_ =	strace $0x8FFFFFFF  }
0x98: {  	s18 =	sld [smem:$0x3FDB];
	_ =	sdelay $0x1  }
0x99: {  	s19 =	simm.s32 $_scs_section_size  }
0x9a: {  	s4 =	simm.s32 $_size__tile_overlayer_lowered;
	s5 =	simm.s32 $_tile_overlayer_lowered  }
0x9b: {  	s22 =	simm.s32 $0x1BFF;
	s21 =	sshll.u32 s5, $0x1;
	s2 =	sadd.s32 s19, s18  }
0x9c: {  	s6 =	simm.s32 $0x0;
	s20 =	sshll.u32 s4, $0x1;
	s4 =	sadd.s32 s21, s2  }
0x9d: {  	[timem:s6], [sflag:s22] =	dma.local [hbm:s4], s20  }
0x9e: {  	_ =	swait.ge [sflag:s22], s20  }
0x9f: {  	s3 =	ssub.s32 $0x0, s20;
	[sflag:s22] =	ssyncset.done $0x0  }
0xa0: {  	[sflag:s22] =	ssyncadd.s32 s3;
	_ =	sdelay $0x1  }
0xa1: {  	s23 =	simm.s32 $0x1B8B  }
0xa2: {  	_ =	swait.ge [sflag:s23], $0x1  }
0xa3: {  	[sflag:s23] =	ssyncset.done $0x0  }
0xa4: {  	s25 =	simm.s32 $0x1B8E;
	s24 =	sld [smem:$0x3FFE];
	[sflag:s23] =	ssyncadd.s32 $0xFFFFFFFF  }
0xa5: {  	s26 =	simm.s32 $execute0_lowered;
	[smem:$0x3FD2] =	sst s25  }
0xa6: {  	s4 =	sshll.u32 s26, $0x1;
	_ =	strace $0x80000046;
	[dreg:$0x1] =	wrdreg $0xFFFFFFFF  }
0xa7: {  	s28 =	simm.s32 $_size_execute0_lowered;
	s2 =	sadd.s32 s2, s4;
	[dreg:$0x0] =	wrdreg $0x0  }
0xa8: {  	s4 =	sshll.u32 s28, $0x1;
	[dreg:$0x2] =	wrdreg s2  }
0xa9: {  	[dreg:$0x3] =	wrdreg s4  }
0xaa: {  	[dreg:$0x4] =	wrdreg $0xC0  }
0xab: {  	_ =	task [dreg:s6], $0x5FFFF  }
0xac: {  	[dreg:$0x1] =	wrdreg $0xFFFFFFFF  }
0xad: {  	[dreg:$0x0] =	wrdreg $0x60  }
0xae: {  	[dreg:$0x2] =	wrdreg s24  }
0xaf: {  	[dreg:$0x3] =	wrdreg $0x9  }
0xb0: {  	_ =	task.clear_ibuf [dreg:s6], $0x4FFFF;
	_ =	strace $0x90000046  }
0xb1: {  	s29 =	simm.s32 $0x9;
	_ =	strace $0x80000048  }
0xb2: {  	_ =	swait.ge [sflag:s29], $0x1  }
0xb3: {  	[sflag:s29] =	ssyncadd.s32 $0xFFFFFFFF  }
0xb4: {  	_ =	strace $0x90000048  }
0xb5: {  	_ =	sfence  }
0xb6: {  	s30 =	sld [smem:$0x0];
	_ =	sdelay $0x2  }
0xb7: {  	s31 =	sshll.u32 s1, $0xD;
	s1 =	sshrl.u32 s1, $0x2  }
0xb8: {  	s3 =	sand.u32 $0x4000, s31;
	s1 =	sadd.s32 s1, s30  }
0xb9: {  	s0 =	sor.u32 s3, s0;
	s1 =	sshll.u32 s1, $0x11  }
0xba: {  	s0 =	sor.u32 s1, s0  }
0xbb: {  	s0 =	sadd.s32 $0x8F2B, s0  }
0xbc: {  	[sflag:s0] =	ssyncadd.remote.s32 $0x1  }
0xbd: {  	_ =	sfence.sel $0xFFFF  }
0xbe: {  	[dreg:$0x0] =	wrdreg $0xFFFFFFFF;
	(pc) =	sbr.abs _section_cstart, $3  }
0xbf: {  	[dreg:$0x1] =	wrdreg $0xFFFFFFFF  }
0xc0: {  	_ =	task.clear_ibuf [dreg:s6], $0x2FFFF;
	_ =	strace $0x9FFFFFFF  }
0xc1: {  	(tm) =	ssettm $0x7FFFFFFF  }
tec
execute0_lowered:
.L_overlay_start_1:
0x0: {  	(tag) =	ssettag $0x1  }
0x1: {  	s0 =	srdreg.scid  }
0x2: {  	s4 =	rddreg [dreg:$0x0];
	s3 =	sand.u32 $0x1, s0  }
0x3: {  	s2 =	simm.s32 $0x0;
	s0 =	stileid.u32;
	s1 =	sshll.u32 s3, $0x4  }
0x4: {  	s8 =	simm.s32 $0x80;
	s9 =	simm.s32 $0x400;
	s5 =	sor.u32 s0, s1  }
0x5: {  	s10 =	simm.s32 $0x0;
	[smem:$0x7FF] =	sst s2;
	s6 =	sshrl.u32 s5, $0x3  }
0x6: {  	s7 =	sshll.u32 s0, $0x7;
	s3 =	ssub.s32 $0x2, s3;
	s6 =	smul.u32 $0x14000, s6  }
0x7: {  	s1 =	rddreg [dreg:$0x1];
	s7 =	sand.u32 $0x380, s7;
	_ =	strace $0x80000047  }
0x8: {  	s31 =	sshrl.u32 s3, $0x1;
	s5 =	sshll.u32 s5, $0xB;
	s6 =	sor.u32 s7, s6  }
0x9: {  	s5 =	sadd.s32 s5, s4;
	s7 =	simm.s32 $0x4000;
	s6 =	sshrl.u32 s6, $0x3  }
0xa: {  	s4 =	sadd.s32 s6, s4;
	s6 =	ssub.s32 s3, s31;
	s3 =	sadd.s32 $0x1C00, s5  }
0xb: {  	v0 =	vimm.f32 $0.0e+00;
	v1 =	vimm.f32 $1.000000000e+00;
	s4 =	sadd.s32 $0x11C00, s4;
	s5 =	smax.u32 s6, $0x1;
	s6 =	simm.s32 $0x1  }
.LBB2_1:
0xc: {  	[tilespmem:s2], [sflag:$0x1] =	stream.linear.gather [hbm4b:s3+s2], $0x3E80, $0x38;
	[tilespmem:$0x6800] =	vst v63  }
0xd: {  	_ =	swait.ge [sflag:s6], $0x3E80  }
0xe: {  	[sflag:s6] =	ssyncset.done $0x0  }
0xf: {  	s11 =	simm.s32 $0x0;
	[sflag:s6] =	ssyncadd.s32 $0xFFFFC180  }
.LBB2_2:
0x10: {  	p0 =	sne.s32 s11, $0x9FC0  }
.Ltmp0:
0x11: {  	_ = 	snop;
	(pc) =	sbr.rel @p0 .LBB2_2-.Ltmp0, $3  }
0x12: {  	_ =	sdelay $0x1  }
0x13: {  	s12 =	sshra.s32 s11, $0x2  }
0x14: {  	s11 =	sadd.s32 $0x40, s11;
	[tilespmem:s12+$0x4000] =	vst v0  }
0x15: {  	s11 =	simm.s32 $0x100  }
.LBB2_4:
0x16: {  	s12 =	sshra.s32 s11, $0x2  }
0x17: {  	v2 =	vld [tilespmem:s12+$0xFFFFFFC0];
	_ =	sdelay $0x7  }
0x18: {  	[tilespmem:v2+s7+$0x0] =	vst.idx.add.f32.msk $0xffff, v1  }
0x19: {  	v2 =	vld [tilespmem:s12+$0xFFFFFFD0];
	_ =	sdelay $0x7  }
0x1a: {  	[tilespmem:v2+s7+$0x0] =	vst.idx.add.f32.msk $0xffff, v1  }
0x1b: {  	v2 =	vld [tilespmem:s12+$0xFFFFFFE0];
	_ =	sdelay $0x7  }
0x1c: {  	[tilespmem:v2+s7+$0x0] =	vst.idx.add.f32.msk $0xffff, v1  }
0x1d: {  	v2 =	vld [tilespmem:s12+$0xFFFFFFF0];
	_ =	sdelay $0x7  }
0x1e: {  	[tilespmem:v2+s7+$0x0] =	vst.idx.add.f32.msk $0xffff, v1  }
0x1f: {  	v2 =	vld [tilespmem:s12+$0x0];
	_ =	sdelay $0x2  }
0x20: {  	p0 =	sne.s32 s11, $0xF900  }
.Ltmp1:
0x21: {  	_ = 	snop;
	(pc) =	sbr.rel @p0 .LBB2_4-.Ltmp1, $2  }
0x22: {  	_ =	sdelay $0x2  }
0x23: {  	s11 =	sadd.s32 $0x200, s11;
	[tilespmem:v2+s7+$0x0] =	vst.idx.add.f32.msk $0xffff, v1  }
0x24: {  	s10 =	sadd.s32 $0x1, s10  }
0x25: {  	p0 =	sne.s32 s10, s5  }
.Ltmp2:
0x26: {  	_ = 	snop;
	(pc) =	sbr.rel @p0 .LBB2_1-.Ltmp2, $4  }
0x27: {  	[hbm4b:s4+s8] =	stream.strided.scatter [tilespmem:s7], [sflag:$0x1], $0x2800, s9, s8, $0x38;
	[tilespmem:$0x6800] =	vst v63  }
0x28: {  	_ =	swait.ge [sflag:s6], $0x2800  }
0x29: {  	[sflag:s6] =	ssyncset.done $0x0  }
0x2a: {  	[sflag:s6] =	ssyncadd.s32 $0xFFFFD800  }
0x2b: {  	_ =	sfence.sel $0x180000  }
0x2c: {  	[bflag:$0x0] =	sbarrier.arrive $0xFFFF  }
0x2d: {  	p0 =	sne.s32 s0, $0x0;
	_ =	strace $0x90000047  }
0x2e: {  	s0 =	sadd.s32 @!p0 $0x100000, s1;
	[bflag:$0x2] =	sbarrier.arrive $0xFFFF  }
0x2f: {  	[sflag:s0] =	ssyncadd.tile.s32 @!p0 $0x1;
	_ =	shalt  }
.Lfunc_end2:
_tile_overlayer_lowered:
.L_overlay_start_2:
0x30: {  	(tag) =	ssettag $0x2  }
0x31: {  	s0 =	rddreg [dreg:$0x0];
	s2 =	stileid.u32  }
0x32: {  	s1 =	rddreg [dreg:$0x1];
	p0 =	sne.s32 s2, $0x0  }
0x33: {  	s3 =	rddreg [dreg:$0x2];
	[bflag:$0x3] =	sbarrier.arrive $0xFFFF;
	s2 =	simm.s32 @!p0 $0x1C01  }
0x34: {  	[timem:s3], [sflag:s2] =	dma.local @!p0 [hbm:s0], s1  }
0x35: {  	s0 =	simm.s32 @!p0 $0x1  }
0x36: {  	_ =	swait.ge @!p0 [sflag:s0], s1  }
0x37: {  	s1 =	ssub.s32 @!p0 $0x0, s1;
	[sflag:s0] =	ssyncset.done @!p0 $0x0  }
0x38: {  	[sflag:s0] =	ssyncadd.s32 @!p0 s1  }
0x39: {  	[bflag:$0x3] =	sbarrier.arrive $0xFFFF  }
0x3a: {  	_ =	shalt  }

</sc_bundles>
